<compile_context>
chip_gen: v7x
topology: tpu7x:2x2x1
jax: 0.10.2.dev20260603
libtpu: 0.0.44.dev20260713+nightly
codegen_flags: <defaults>
</compile_context>

<pallas_src>
import functools

import jax
import jax.numpy as jnp
from jax import lax
from jax.experimental import pallas as pl
from jax.experimental.pallas import tpu as pltpu
from jax.experimental.pallas import tpu_sc as plsc

VOCAB = 100000
EMBED_DIM = 64
BATCH = 4096
SEQ = 200

FOLD = 16
WROWS = VOCAB // FOLD
WCOLS = FOLD * EMBED_DIM
WBLK = 1280
NWBLK = 5

NC, NS, L = 2, 16, 16
NW = NC * NS
BPW = BATCH // NW


def _tv_body(table_ref, k_ref, b_ref, out_ref):
    t = table_ref[...]
    k = k_ref[...]
    v = jnp.dot(t, k, preferred_element_type=jnp.float32)
    out_ref[...] = v + b_ref[0, 0]


def _compute_tv(table2, K, b2d):
    return pl.pallas_call(
        _tv_body,
        grid=(NWBLK,),
        in_specs=[
            pl.BlockSpec((WBLK, WCOLS), lambda i: (i, 0)),
            pl.BlockSpec((WCOLS, FOLD), lambda i: (0, 0)),
            pl.BlockSpec((1, 1), lambda i: (0, 0)),
        ],
        out_specs=pl.BlockSpec((WBLK, FOLD), lambda i: (i, 0)),
        out_shape=jax.ShapeDtypeStruct((WROWS, FOLD), jnp.float32),
    )(table2, K, b2d)


def _sc_body(tv_hbm, x_hbm, out_hbm, tv_v, idx_v, out_v):
    wid = lax.axis_index("s") * NC + lax.axis_index("c")
    base = wid * BPW
    pltpu.sync_copy(x_hbm.at[pl.ds(base * SEQ, BPW * SEQ)], idx_v)
    pltpu.sync_copy(tv_hbm, tv_v)

    lanes = lax.iota(jnp.int32, L)
    UNROLL = 8
    for g in range(BPW // L):
        pos0 = (jnp.full((L,), g * L, jnp.int32) + lanes) * SEQ

        def jstep(j, carry):
            accs, pos = carry
            new = []
            for u in range(UNROLL):
                ii = plsc.load_gather(idx_v, [pos + u])
                new.append(accs[u] + plsc.load_gather(tv_v, [ii]))
            return tuple(new), pos + UNROLL

        accs, _ = lax.fori_loop(
            0, SEQ // UNROLL, jstep,
            (tuple(jnp.zeros((L,), jnp.float32) for _ in range(UNROLL)), pos0),
        )
        acc = ((accs[0] + accs[1]) + (accs[2] + accs[3])
               + (accs[4] + accs[5]) + (accs[6] + accs[7]))
        out_v[pl.ds(g * L, L)] = acc * (1.0 / SEQ)

    pltpu.sync_copy(out_v, out_hbm.at[pl.ds(base, BPW)])


@functools.partial(jax.jit, static_argnames=())
def _pool(tv, x):
    mesh = plsc.VectorSubcoreMesh(core_axis_name="c", subcore_axis_name="s")
    f = pl.kernel(
        _sc_body,
        out_type=jax.ShapeDtypeStruct((BATCH,), jnp.float32),
        mesh=mesh,
        scratch_types=[
            pltpu.VMEM((VOCAB,), jnp.float32),
            pltpu.VMEM((BPW * SEQ,), jnp.int32),
            pltpu.VMEM((BPW,), jnp.float32),
        ],
        compiler_params=pltpu.CompilerParams(needs_layout_passes=False),
    )
    return f(tv, x)


def kernel(x, table, W, b):
    table2 = table.reshape(WROWS, WCOLS)
    K = jnp.kron(jnp.eye(FOLD, dtype=jnp.float32), W)
    tv = _compute_tv(table2, K, b.reshape(1, 1).astype(jnp.float32))
    tv = tv.reshape(VOCAB)
    xf = x.reshape(BATCH * SEQ).astype(jnp.int32)
    return _pool(tv, xf)

# --- scband reference (transcript-rebuilt; emitter-appended) ---
"""Pipeline reference for scband-embedding-pretrained-33071248179338 (READ-ONLY COPY).

The authoritative reference and input builder live on the scoring server;
editing this copy changes nothing except your own understanding.
"""

import jax, jax.numpy as jnp
import numpy as np

VOCAB = 100000
EMBED_DIM = 64
BATCH = 4096
SEQ = 200


def setup_inputs(seed: int = 0) -> dict:
    key = jax.random.key(seed)
    k_x, k_tab, k_w, k_b = jax.random.split(key, 4)
    x = jax.random.randint(k_x, (BATCH, SEQ), 0, VOCAB, dtype=jnp.int64 if jax.config.jax_enable_x64 else jnp.int32)
    # embedding table ~ N(0, 0.6), row 0 (padding_idx) zeroed, matching load_glove_embeddings fallback init
    table = 0.6 * jax.random.normal(k_tab, (VOCAB, EMBED_DIM), dtype=jnp.float32)
    table = table.at[0].set(0.0)
    # nn.Linear(embed_dim, 1): W [1, embed_dim], b [1]; store W transposed [embed_dim, 1]
    bound = 1.0 / np.sqrt(EMBED_DIM)
    W = jax.random.uniform(k_w, (EMBED_DIM, 1), minval=-bound, maxval=bound, dtype=jnp.float32)
    b = jax.random.uniform(k_b, (1,), minval=-bound, maxval=bound, dtype=jnp.float32)
    return {"x": x, "table": table, "W": W, "b": b}


def reference(x, table, W, b):
    # padding_idx=0: row 0 is held at zero (and receives no gradient)
    t = table.at[0].set(0.0)
    embedded = jnp.take(t, x, axis=0)          # [B, S, D] gather
    pooled = embedded.mean(axis=1)              # [B, D]
    output = pooled @ W + b                     # [B, 1]
    return output.squeeze(1)                    # [B]

if __name__ == "__main__":
    import jax
    _d = setup_inputs()
    print(jax.jit(kernel)(*tuple(_d.values())))

</pallas_src>

<mosaic_0001>
#map = affine_map<(d0, d1) -> (0)>
module attributes {stable_mosaic.version = 14 : i64} {
  func.func @_sc_body(%arg0: i32, %arg1: i32, %arg2: memref<100000xf32, #tpu.memory_space<hbm>>, %arg3: memref<819200xi32, #tpu.memory_space<hbm>>, %arg4: memref<4096xf32, #tpu.memory_space<hbm>>, %arg5: memref<100000xf32, #tpu.memory_space<vmem>>, %arg6: memref<25600xi32, #tpu.memory_space<vmem>>, %arg7: memref<128xf32, #tpu.memory_space<vmem>>) attributes {dimension_semantics = [#tpu.dimension_semantics<core_parallel>, #tpu.dimension_semantics<subcore_parallel>], iteration_bounds = array<i64: 2, 16>, scalar_prefetch = 0 : i64, scratch_operands = 3 : i64, tpu.core_type = #tpu.core_type<sc_vector_subcore>, window_params = [{transform_indices = #map}, {transform_indices = #map}, {transform_indices = #map}]} {
    %mul3A = arith.constant 2 : i32
    %mul3A_0 = arith.muli %arg1, %mul3A : i32
    %add3A = arith.addi %mul3A_0, %arg0 : i32
    %mul3A_1 = arith.constant 128 : i32
    %mul3A_2 = arith.muli %add3A, %mul3A_1 : i32
    %mul3A_3 = arith.constant 200 : i32
    %mul3A_4 = arith.muli %mul3A_2, %mul3A_3 : i32
    "tpu.region"() ({
      %run_scoped3A = tpu.sem_alloc : memref<!tpu.dma_semaphore, #tpu.memory_space<semaphore_mem>>
      %dma_start3A = tpu.memref_slice %arg3[%mul3A_4] : memref<819200xi32, #tpu.memory_space<hbm>> -> memref<25600xi32, #tpu.memory_space<hbm>>
      %dma_start3A_322 = tpu.memref_slice %arg3[%mul3A_4] : memref<819200xi32, #tpu.memory_space<hbm>> -> memref<25600xi32, #tpu.memory_space<hbm>>
      tpu.enqueue_dma source(%dma_start3A_322 : memref<25600xi32, #tpu.memory_space<hbm>>) target(%arg6 : memref<25600xi32, #tpu.memory_space<vmem>>) target_semaphore(%run_scoped3A : memref<!tpu.dma_semaphore, #tpu.memory_space<semaphore_mem>>)
      %dma_wait3A = tpu.memref_slice %arg3[%mul3A_4] : memref<819200xi32, #tpu.memory_space<hbm>> -> memref<25600xi32, #tpu.memory_space<hbm>>
      %dma_wait3A_323 = tpu.memref_slice %arg3[%mul3A_4] : memref<819200xi32, #tpu.memory_space<hbm>> -> memref<25600xi32, #tpu.memory_space<hbm>>
      tpu.wait_dma2 semaphore(%run_scoped3A : memref<!tpu.dma_semaphore, #tpu.memory_space<semaphore_mem>>) src(%dma_wait3A_323 : memref<25600xi32, #tpu.memory_space<hbm>>) dst(%arg6 : memref<25600xi32, #tpu.memory_space<vmem>>)
      tpu.yield
    }) : () -> ()
    "tpu.region"() ({
      %run_scoped3A = tpu.sem_alloc : memref<!tpu.dma_semaphore, #tpu.memory_space<semaphore_mem>>
      tpu.enqueue_dma source(%arg2 : memref<100000xf32, #tpu.memory_space<hbm>>) target(%arg5 : memref<100000xf32, #tpu.memory_space<vmem>>) target_semaphore(%run_scoped3A : memref<!tpu.dma_semaphore, #tpu.memory_space<semaphore_mem>>)
      tpu.wait_dma2 semaphore(%run_scoped3A : memref<!tpu.dma_semaphore, #tpu.memory_space<semaphore_mem>>) src(%arg2 : memref<100000xf32, #tpu.memory_space<hbm>>) dst(%arg5 : memref<100000xf32, #tpu.memory_space<vmem>>)
      tpu.yield
    }) : () -> ()
    %iota3A = tpu.iota {dimensions = array<i32: 0>} : vector<16xi32>
    %broadcast_in_dim3A = arith.constant 0 : i32
    %broadcast_in_dim3A_5 = vector.broadcast %broadcast_in_dim3A : i32 to vector<16xi32>
    %add3A_6 = arith.addi %broadcast_in_dim3A_5, %iota3A : vector<16xi32>
    %mul3A_7 = arith.constant 200 : i32
    %mul3A_8 = vector.broadcast %mul3A_7 : i32 to vector<16xi32>
    %mul3A_9 = arith.muli %add3A_6, %mul3A_8 : vector<16xi32>
    %broadcast_in_dim3A_10 = arith.constant 0.000000e+00 : f32
    %broadcast_in_dim3A_11 = vector.broadcast %broadcast_in_dim3A_10 : f32 to vector<16xf32>
    %broadcast_in_dim3A_12 = arith.constant 0.000000e+00 : f32
    %broadcast_in_dim3A_13 = vector.broadcast %broadcast_in_dim3A_12 : f32 to vector<16xf32>
    %broadcast_in_dim3A_14 = arith.constant 0.000000e+00 : f32
    %broadcast_in_dim3A_15 = vector.broadcast %broadcast_in_dim3A_14 : f32 to vector<16xf32>
    %broadcast_in_dim3A_16 = arith.constant 0.000000e+00 : f32
    %broadcast_in_dim3A_17 = vector.broadcast %broadcast_in_dim3A_16 : f32 to vector<16xf32>
    %broadcast_in_dim3A_18 = arith.constant 0.000000e+00 : f32
    %broadcast_in_dim3A_19 = vector.broadcast %broadcast_in_dim3A_18 : f32 to vector<16xf32>
    %broadcast_in_dim3A_20 = arith.constant 0.000000e+00 : f32
    %broadcast_in_dim3A_21 = vector.broadcast %broadcast_in_dim3A_20 : f32 to vector<16xf32>
    %broadcast_in_dim3A_22 = arith.constant 0.000000e+00 : f32
    %broadcast_in_dim3A_23 = vector.broadcast %broadcast_in_dim3A_22 : f32 to vector<16xf32>
    %broadcast_in_dim3A_24 = arith.constant 0.000000e+00 : f32
    %broadcast_in_dim3A_25 = vector.broadcast %broadcast_in_dim3A_24 : f32 to vector<16xf32>
    %scan3A = arith.constant 0 : i32
    %scan3A_26 = arith.constant 25 : i32
    %scan3A_27 = arith.addi %scan3A, %scan3A_26 : i32
    %scan3A_28 = arith.constant 1 : i32
    %scan3A_29:9 = scf.for %scan3A_322 = %scan3A to %scan3A_27 step %scan3A_28 iter_args(%scan3A_323 = %broadcast_in_dim3A_11, %scan3A_324 = %broadcast_in_dim3A_13, %scan3A_325 = %broadcast_in_dim3A_15, %scan3A_326 = %broadcast_in_dim3A_17, %scan3A_327 = %broadcast_in_dim3A_19, %scan3A_328 = %broadcast_in_dim3A_21, %scan3A_329 = %broadcast_in_dim3A_23, %scan3A_330 = %broadcast_in_dim3A_25, %scan3A_331 = %mul3A_9) -> (vector<16xf32>, vector<16xf32>, vector<16xf32>, vector<16xf32>, vector<16xf32>, vector<16xf32>, vector<16xf32>, vector<16xf32>, vector<16xi32>)  : i32 {
      %add3A_332 = arith.constant 0 : i32
      %add3A_333 = vector.broadcast %add3A_332 : i32 to vector<16xi32>
      %add3A_334 = arith.addi %scan3A_331, %add3A_333 : vector<16xi32>
      %gather3A = tpu.vector_load_idx %arg6[%add3A_334] : memref<25600xi32, #tpu.memory_space<vmem>>[vector<16xi32>], vector<16xi32>,
      %gather3A_335 = tpu.vector_load_idx %arg5[%gather3A] : memref<100000xf32, #tpu.memory_space<vmem>>[vector<16xi32>], vector<16xf32>,
      %add3A_336 = arith.addf %scan3A_323, %gather3A_335 : vector<16xf32>
      %add3A_337 = arith.constant 1 : i32
      %add3A_338 = vector.broadcast %add3A_337 : i32 to vector<16xi32>
      %add3A_339 = arith.addi %scan3A_331, %add3A_338 : vector<16xi32>
      %gather3A_340 = tpu.vector_load_idx %arg6[%add3A_339] : memref<25600xi32, #tpu.memory_space<vmem>>[vector<16xi32>], vector<16xi32>,
      %gather3A_341 = tpu.vector_load_idx %arg5[%gather3A_340] : memref<100000xf32, #tpu.memory_space<vmem>>[vector<16xi32>], vector<16xf32>,
      %add3A_342 = arith.addf %scan3A_324, %gather3A_341 : vector<16xf32>
      %add3A_343 = arith.constant 2 : i32
      %add3A_344 = vector.broadcast %add3A_343 : i32 to vector<16xi32>
      %add3A_345 = arith.addi %scan3A_331, %add3A_344 : vector<16xi32>
      %gather3A_346 = tpu.vector_load_idx %arg6[%add3A_345] : memref<25600xi32, #tpu.memory_space<vmem>>[vector<16xi32>], vector<16xi32>,
      %gather3A_347 = tpu.vector_load_idx %arg5[%gather3A_346] : memref<100000xf32, #tpu.memory_space<vmem>>[vector<16xi32>], vector<16xf32>,
      %add3A_348 = arith.addf %scan3A_325, %gather3A_347 : vector<16xf32>
      %add3A_349 = arith.constant 3 : i32
      %add3A_350 = vector.broadcast %add3A_349 : i32 to vector<16xi32>
      %add3A_351 = arith.addi %scan3A_331, %add3A_350 : vector<16xi32>
      %gather3A_352 = tpu.vector_load_idx %arg6[%add3A_351] : memref<25600xi32, #tpu.memory_space<vmem>>[vector<16xi32>], vector<16xi32>,
      %gather3A_353 = tpu.vector_load_idx %arg5[%gather3A_352] : memref<100000xf32, #tpu.memory_space<vmem>>[vector<16xi32>], vector<16xf32>,
      %add3A_354 = arith.addf %scan3A_326, %gather3A_353 : vector<16xf32>
      %add3A_355 = arith.constant 4 : i32
      %add3A_356 = vector.broadcast %add3A_355 : i32 to vector<16xi32>
      %add3A_357 = arith.addi %scan3A_331, %add3A_356 : vector<16xi32>
      %gather3A_358 = tpu.vector_load_idx %arg6[%add3A_357] : memref<25600xi32, #tpu.memory_space<vmem>>[vector<16xi32>], vector<16xi32>,
      %gather3A_359 = tpu.vector_load_idx %arg5[%gather3A_358] : memref<100000xf32, #tpu.memory_space<vmem>>[vector<16xi32>], vector<16xf32>,
      %add3A_360 = arith.addf %scan3A_327, %gather3A_359 : vector<16xf32>
      %add3A_361 = arith.constant 5 : i32
      %add3A_362 = vector.broadcast %add3A_361 : i32 to vector<16xi32>
      %add3A_363 = arith.addi %scan3A_331, %add3A_362 : vector<16xi32>
      %gather3A_364 = tpu.vector_load_idx %arg6[%add3A_363] : memref<25600xi32, #tpu.memory_space<vmem>>[vector<16xi32>], vector<16xi32>,
      %gather3A_365 = tpu.vector_load_idx %arg5[%gather3A_364] : memref<100000xf32, #tpu.memory_space<vmem>>[vector<16xi32>], vector<16xf32>,
      %add3A_366 = arith.addf %scan3A_328, %gather3A_365 : vector<16xf32>
      %add3A_367 = arith.constant 6 : i32
      %add3A_368 = vector.broadcast %add3A_367 : i32 to vector<16xi32>
      %add3A_369 = arith.addi %scan3A_331, %add3A_368 : vector<16xi32>
      %gather3A_370 = tpu.vector_load_idx %arg6[%add3A_369] : memref<25600xi32, #tpu.memory_space<vmem>>[vector<16xi32>], vector<16xi32>,
      %gather3A_371 = tpu.vector_load_idx %arg5[%gather3A_370] : memref<100000xf32, #tpu.memory_space<vmem>>[vector<16xi32>], vector<16xf32>,
      %add3A_372 = arith.addf %scan3A_329, %gather3A_371 : vector<16xf32>
      %add3A_373 = arith.constant 7 : i32
      %add3A_374 = vector.broadcast %add3A_373 : i32 to vector<16xi32>
      %add3A_375 = arith.addi %scan3A_331, %add3A_374 : vector<16xi32>
      %gather3A_376 = tpu.vector_load_idx %arg6[%add3A_375] : memref<25600xi32, #tpu.memory_space<vmem>>[vector<16xi32>], vector<16xi32>,
      %gather3A_377 = tpu.vector_load_idx %arg5[%gather3A_376] : memref<100000xf32, #tpu.memory_space<vmem>>[vector<16xi32>], vector<16xf32>,
      %add3A_378 = arith.addf %scan3A_330, %gather3A_377 : vector<16xf32>
      %add3A_379 = arith.constant 8 : i32
      %add3A_380 = vector.broadcast %add3A_379 : i32 to vector<16xi32>
      %add3A_381 = arith.addi %scan3A_331, %add3A_380 : vector<16xi32>
      scf.yield %add3A_336, %add3A_342, %add3A_348, %add3A_354, %add3A_360, %add3A_366, %add3A_372, %add3A_378, %add3A_381 : vector<16xf32>, vector<16xf32>, vector<16xf32>, vector<16xf32>, vector<16xf32>, vector<16xf32>, vector<16xf32>, vector<16xf32>, vector<16xi32>
    }
    %scan3A_30 = arith.constant 25 : i32
    %add3A_31 = arith.addf %scan3A_29#0, %scan3A_29#1 : vector<16xf32>
    %add3A_32 = arith.addf %scan3A_29#2, %scan3A_29#3 : vector<16xf32>
    %add3A_33 = arith.addf %add3A_31, %add3A_32 : vector<16xf32>
    %add3A_34 = arith.addf %scan3A_29#4, %scan3A_29#5 : vector<16xf32>
    %add3A_35 = arith.addf %add3A_33, %add3A_34 : vector<16xf32>
    %add3A_36 = arith.addf %scan3A_29#6, %scan3A_29#7 : vector<16xf32>
    %add3A_37 = arith.addf %add3A_35, %add3A_36 : vector<16xf32>
    %mul3A_38 = arith.constant 5.000000e-03 : f32
    %mul3A_39 = vector.broadcast %mul3A_38 : f32 to vector<16xf32>
    %mul3A_40 = arith.mulf %add3A_37, %mul3A_39 : vector<16xf32>
    %swap3A = arith.constant 0 : index
    %swap3A_41 = tpu.vector_load %arg7[%swap3A] {strides = array<i32>} : memref<128xf32, #tpu.memory_space<vmem>>, vector<16xf32>,
    tpu.vector_store %arg7[%swap3A], %mul3A_40 {strides = array<i32>} : memref<128xf32, #tpu.memory_space<vmem>>, vector<16xf32>,
    %broadcast_in_dim3A_42 = arith.constant 16 : i32
    %broadcast_in_dim3A_43 = vector.broadcast %broadcast_in_dim3A_42 : i32 to vector<16xi32>
    %add3A_44 = arith.addi %broadcast_in_dim3A_43, %iota3A : vector<16xi32>
    %mul3A_45 = arith.constant 200 : i32
    %mul3A_46 = vector.broadcast %mul3A_45 : i32 to vector<16xi32>
    %mul3A_47 = arith.muli %add3A_44, %mul3A_46 : vector<16xi32>
    %broadcast_in_dim3A_48 = arith.constant 0.000000e+00 : f32
    %broadcast_in_dim3A_49 = vector.broadcast %broadcast_in_dim3A_48 : f32 to vector<16xf32>
    %broadcast_in_dim3A_50 = arith.constant 0.000000e+00 : f32
    %broadcast_in_dim3A_51 = vector.broadcast %broadcast_in_dim3A_50 : f32 to vector<16xf32>
    %broadcast_in_dim3A_52 = arith.constant 0.000000e+00 : f32
    %broadcast_in_dim3A_53 = vector.broadcast %broadcast_in_dim3A_52 : f32 to vector<16xf32>
    %broadcast_in_dim3A_54 = arith.constant 0.000000e+00 : f32
    %broadcast_in_dim3A_55 = vector.broadcast %broadcast_in_dim3A_54 : f32 to vector<16xf32>
    %broadcast_in_dim3A_56 = arith.constant 0.000000e+00 : f32
    %broadcast_in_dim3A_57 = vector.broadcast %broadcast_in_dim3A_56 : f32 to vector<16xf32>
    %broadcast_in_dim3A_58 = arith.constant 0.000000e+00 : f32
    %broadcast_in_dim3A_59 = vector.broadcast %broadcast_in_dim3A_58 : f32 to vector<16xf32>
    %broadcast_in_dim3A_60 = arith.constant 0.000000e+00 : f32
    %broadcast_in_dim3A_61 = vector.broadcast %broadcast_in_dim3A_60 : f32 to vector<16xf32>
    %broadcast_in_dim3A_62 = arith.constant 0.000000e+00 : f32
    %broadcast_in_dim3A_63 = vector.broadcast %broadcast_in_dim3A_62 : f32 to vector<16xf32>
    %scan3A_64 = arith.constant 0 : i32
    %scan3A_65 = arith.constant 25 : i32
    %scan3A_66 = arith.addi %scan3A_64, %scan3A_65 : i32
    %scan3A_67 = arith.constant 1 : i32
    %scan3A_68:9 = scf.for %scan3A_322 = %scan3A_64 to %scan3A_66 step %scan3A_67 iter_args(%scan3A_323 = %broadcast_in_dim3A_49, %scan3A_324 = %broadcast_in_dim3A_51, %scan3A_325 = %broadcast_in_dim3A_53, %scan3A_326 = %broadcast_in_dim3A_55, %scan3A_327 = %broadcast_in_dim3A_57, %scan3A_328 = %broadcast_in_dim3A_59, %scan3A_329 = %broadcast_in_dim3A_61, %scan3A_330 = %broadcast_in_dim3A_63, %scan3A_331 = %mul3A_47) -> (vector<16xf32>, vector<16xf32>, vector<16xf32>, vector<16xf32>, vector<16xf32>, vector<16xf32>, vector<16xf32>, vector<16xf32>, vector<16xi32>)  : i32 {
      %add3A_332 = arith.constant 0 : i32
      %add3A_333 = vector.broadcast %add3A_332 : i32 to vector<16xi32>
      %add3A_334 = arith.addi %scan3A_331, %add3A_333 : vector<16xi32>
      %gather3A = tpu.vector_load_idx %arg6[%add3A_334] : memref<25600xi32, #tpu.memory_space<vmem>>[vector<16xi32>], vector<16xi32>,
      %gather3A_335 = tpu.vector_load_idx %arg5[%gather3A] : memref<100000xf32, #tpu.memory_space<vmem>>[vector<16xi32>], vector<16xf32>,
      %add3A_336 = arith.addf %scan3A_323, %gather3A_335 : vector<16xf32>
      %add3A_337 = arith.constant 1 : i32
      %add3A_338 = vector.broadcast %add3A_337 : i32 to vector<16xi32>
      %add3A_339 = arith.addi %scan3A_331, %add3A_338 : vector<16xi32>
      %gather3A_340 = tpu.vector_load_idx %arg6[%add3A_339] : memref<25600xi32, #tpu.memory_space<vmem>>[vector<16xi32>], vector<16xi32>,
      %gather3A_341 = tpu.vector_load_idx %arg5[%gather3A_340] : memref<100000xf32, #tpu.memory_space<vmem>>[vector<16xi32>], vector<16xf32>,
      %add3A_342 = arith.addf %scan3A_324, %gather3A_341 : vector<16xf32>
      %add3A_343 = arith.constant 2 : i32
      %add3A_344 = vector.broadcast %add3A_343 : i32 to vector<16xi32>
      %add3A_345 = arith.addi %scan3A_331, %add3A_344 : vector<16xi32>
      %gather3A_346 = tpu.vector_load_idx %arg6[%add3A_345] : memref<25600xi32, #tpu.memory_space<vmem>>[vector<16xi32>], vector<16xi32>,
      %gather3A_347 = tpu.vector_load_idx %arg5[%gather3A_346] : memref<100000xf32, #tpu.memory_space<vmem>>[vector<16xi32>], vector<16xf32>,
      %add3A_348 = arith.addf %scan3A_325, %gather3A_347 : vector<16xf32>
      %add3A_349 = arith.constant 3 : i32
      %add3A_350 = vector.broadcast %add3A_349 : i32 to vector<16xi32>
      %add3A_351 = arith.addi %scan3A_331, %add3A_350 : vector<16xi32>
      %gather3A_352 = tpu.vector_load_idx %arg6[%add3A_351] : memref<25600xi32, #tpu.memory_space<vmem>>[vector<16xi32>], vector<16xi32>,
      %gather3A_353 = tpu.vector_load_idx %arg5[%gather3A_352] : memref<100000xf32, #tpu.memory_space<vmem>>[vector<16xi32>], vector<16xf32>,
      %add3A_354 = arith.addf %scan3A_326, %gather3A_353 : vector<16xf32>
      %add3A_355 = arith.constant 4 : i32
      %add3A_356 = vector.broadcast %add3A_355 : i32 to vector<16xi32>
      %add3A_357 = arith.addi %scan3A_331, %add3A_356 : vector<16xi32>
      %gather3A_358 = tpu.vector_load_idx %arg6[%add3A_357] : memref<25600xi32, #tpu.memory_space<vmem>>[vector<16xi32>], vector<16xi32>,
      %gather3A_359 = tpu.vector_load_idx %arg5[%gather3A_358] : memref<100000xf32, #tpu.memory_space<vmem>>[vector<16xi32>], vector<16xf32>,
      %add3A_360 = arith.addf %scan3A_327, %gather3A_359 : vector<16xf32>
      %add3A_361 = arith.constant 5 : i32
      %add3A_362 = vector.broadcast %add3A_361 : i32 to vector<16xi32>
      %add3A_363 = arith.addi %scan3A_331, %add3A_362 : vector<16xi32>
      %gather3A_364 = tpu.vector_load_idx %arg6[%add3A_363] : memref<25600xi32, #tpu.memory_space<vmem>>[vector<16xi32>], vector<16xi32>,
      %gather3A_365 = tpu.vector_load_idx %arg5[%gather3A_364] : memref<100000xf32, #tpu.memory_space<vmem>>[vector<16xi32>], vector<16xf32>,
      %add3A_366 = arith.addf %scan3A_328, %gather3A_365 : vector<16xf32>
      %add3A_367 = arith.constant 6 : i32
      %add3A_368 = vector.broadcast %add3A_367 : i32 to vector<16xi32>
      %add3A_369 = arith.addi %scan3A_331, %add3A_368 : vector<16xi32>
      %gather3A_370 = tpu.vector_load_idx %arg6[%add3A_369] : memref<25600xi32, #tpu.memory_space<vmem>>[vector<16xi32>], vector<16xi32>,
      %gather3A_371 = tpu.vector_load_idx %arg5[%gather3A_370] : memref<100000xf32, #tpu.memory_space<vmem>>[vector<16xi32>], vector<16xf32>,
      %add3A_372 = arith.addf %scan3A_329, %gather3A_371 : vector<16xf32>
      %add3A_373 = arith.constant 7 : i32
      %add3A_374 = vector.broadcast %add3A_373 : i32 to vector<16xi32>
      %add3A_375 = arith.addi %scan3A_331, %add3A_374 : vector<16xi32>
      %gather3A_376 = tpu.vector_load_idx %arg6[%add3A_375] : memref<25600xi32, #tpu.memory_space<vmem>>[vector<16xi32>], vector<16xi32>,
      %gather3A_377 = tpu.vector_load_idx %arg5[%gather3A_376] : memref<100000xf32, #tpu.memory_space<vmem>>[vector<16xi32>], vector<16xf32>,
      %add3A_378 = arith.addf %scan3A_330, %gather3A_377 : vector<16xf32>
      %add3A_379 = arith.constant 8 : i32
      %add3A_380 = vector.broadcast %add3A_379 : i32 to vector<16xi32>
      %add3A_381 = arith.addi %scan3A_331, %add3A_380 : vector<16xi32>
      scf.yield %add3A_336, %add3A_342, %add3A_348, %add3A_354, %add3A_360, %add3A_366, %add3A_372, %add3A_378, %add3A_381 : vector<16xf32>, vector<16xf32>, vector<16xf32>, vector<16xf32>, vector<16xf32>, vector<16xf32>, vector<16xf32>, vector<16xf32>, vector<16xi32>
    }
    %scan3A_69 = arith.constant 25 : i32
    %add3A_70 = arith.addf %scan3A_68#0, %scan3A_68#1 : vector<16xf32>
    %add3A_71 = arith.addf %scan3A_68#2, %scan3A_68#3 : vector<16xf32>
    %add3A_72 = arith.addf %add3A_70, %add3A_71 : vector<16xf32>
    %add3A_73 = arith.addf %scan3A_68#4, %scan3A_68#5 : vector<16xf32>
    %add3A_74 = arith.addf %add3A_72, %add3A_73 : vector<16xf32>
    %add3A_75 = arith.addf %scan3A_68#6, %scan3A_68#7 : vector<16xf32>
    %add3A_76 = arith.addf %add3A_74, %add3A_75 : vector<16xf32>
    %mul3A_77 = arith.constant 5.000000e-03 : f32
    %mul3A_78 = vector.broadcast %mul3A_77 : f32 to vector<16xf32>
    %mul3A_79 = arith.mulf %add3A_76, %mul3A_78 : vector<16xf32>
    %swap3A_80 = arith.constant 16 : index
    %swap3A_81 = tpu.vector_load %arg7[%swap3A_80] {strides = array<i32>} : memref<128xf32, #tpu.memory_space<vmem>>, vector<16xf32>,
    tpu.vector_store %arg7[%swap3A_80], %mul3A_79 {strides = array<i32>} : memref<128xf32, #tpu.memory_space<vmem>>, vector<16xf32>,
    %broadcast_in_dim3A_82 = arith.constant 32 : i32
    %broadcast_in_dim3A_83 = vector.broadcast %broadcast_in_dim3A_82 : i32 to vector<16xi32>
    %add3A_84 = arith.addi %broadcast_in_dim3A_83, %iota3A : vector<16xi32>
    %mul3A_85 = arith.constant 200 : i32
    %mul3A_86 = vector.broadcast %mul3A_85 : i32 to vector<16xi32>
    %mul3A_87 = arith.muli %add3A_84, %mul3A_86 : vector<16xi32>
    %broadcast_in_dim3A_88 = arith.constant 0.000000e+00 : f32
    %broadcast_in_dim3A_89 = vector.broadcast %broadcast_in_dim3A_88 : f32 to vector<16xf32>
    %broadcast_in_dim3A_90 = arith.constant 0.000000e+00 : f32
    %broadcast_in_dim3A_91 = vector.broadcast %broadcast_in_dim3A_90 : f32 to vector<16xf32>
    %broadcast_in_dim3A_92 = arith.constant 0.000000e+00 : f32
    %broadcast_in_dim3A_93 = vector.broadcast %broadcast_in_dim3A_92 : f32 to vector<16xf32>
    %broadcast_in_dim3A_94 = arith.constant 0.000000e+00 : f32
    %broadcast_in_dim3A_95 = vector.broadcast %broadcast_in_dim3A_94 : f32 to vector<16xf32>
    %broadcast_in_dim3A_96 = arith.constant 0.000000e+00 : f32
    %broadcast_in_dim3A_97 = vector.broadcast %broadcast_in_dim3A_96 : f32 to vector<16xf32>
    %broadcast_in_dim3A_98 = arith.constant 0.000000e+00 : f32
    %broadcast_in_dim3A_99 = vector.broadcast %broadcast_in_dim3A_98 : f32 to vector<16xf32>
    %broadcast_in_dim3A_100 = arith.constant 0.000000e+00 : f32
    %broadcast_in_dim3A_101 = vector.broadcast %broadcast_in_dim3A_100 : f32 to vector<16xf32>
    %broadcast_in_dim3A_102 = arith.constant 0.000000e+00 : f32
    %broadcast_in_dim3A_103 = vector.broadcast %broadcast_in_dim3A_102 : f32 to vector<16xf32>
    %scan3A_104 = arith.constant 0 : i32
    %scan3A_105 = arith.constant 25 : i32
    %scan3A_106 = arith.addi %scan3A_104, %scan3A_105 : i32
    %scan3A_107 = arith.constant 1 : i32
    %scan3A_108:9 = scf.for %scan3A_322 = %scan3A_104 to %scan3A_106 step %scan3A_107 iter_args(%scan3A_323 = %broadcast_in_dim3A_89, %scan3A_324 = %broadcast_in_dim3A_91, %scan3A_325 = %broadcast_in_dim3A_93, %scan3A_326 = %broadcast_in_dim3A_95, %scan3A_327 = %broadcast_in_dim3A_97, %scan3A_328 = %broadcast_in_dim3A_99, %scan3A_329 = %broadcast_in_dim3A_101, %scan3A_330 = %broadcast_in_dim3A_103, %scan3A_331 = %mul3A_87) -> (vector<16xf32>, vector<16xf32>, vector<16xf32>, vector<16xf32>, vector<16xf32>, vector<16xf32>, vector<16xf32>, vector<16xf32>, vector<16xi32>)  : i32 {
      %add3A_332 = arith.constant 0 : i32
      %add3A_333 = vector.broadcast %add3A_332 : i32 to vector<16xi32>
      %add3A_334 = arith.addi %scan3A_331, %add3A_333 : vector<16xi32>
      %gather3A = tpu.vector_load_idx %arg6[%add3A_334] : memref<25600xi32, #tpu.memory_space<vmem>>[vector<16xi32>], vector<16xi32>,
      %gather3A_335 = tpu.vector_load_idx %arg5[%gather3A] : memref<100000xf32, #tpu.memory_space<vmem>>[vector<16xi32>], vector<16xf32>,
      %add3A_336 = arith.addf %scan3A_323, %gather3A_335 : vector<16xf32>
      %add3A_337 = arith.constant 1 : i32
      %add3A_338 = vector.broadcast %add3A_337 : i32 to vector<16xi32>
      %add3A_339 = arith.addi %scan3A_331, %add3A_338 : vector<16xi32>
      %gather3A_340 = tpu.vector_load_idx %arg6[%add3A_339] : memref<25600xi32, #tpu.memory_space<vmem>>[vector<16xi32>], vector<16xi32>,
      %gather3A_341 = tpu.vector_load_idx %arg5[%gather3A_340] : memref<100000xf32, #tpu.memory_space<vmem>>[vector<16xi32>], vector<16xf32>,
      %add3A_342 = arith.addf %scan3A_324, %gather3A_341 : vector<16xf32>
      %add3A_343 = arith.constant 2 : i32
      %add3A_344 = vector.broadcast %add3A_343 : i32 to vector<16xi32>
      %add3A_345 = arith.addi %scan3A_331, %add3A_344 : vector<16xi32>
      %gather3A_346 = tpu.vector_load_idx %arg6[%add3A_345] : memref<25600xi32, #tpu.memory_space<vmem>>[vector<16xi32>], vector<16xi32>,
      %gather3A_347 = tpu.vector_load_idx %arg5[%gather3A_346] : memref<100000xf32, #tpu.memory_space<vmem>>[vector<16xi32>], vector<16xf32>,
      %add3A_348 = arith.addf %scan3A_325, %gather3A_347 : vector<16xf32>
      %add3A_349 = arith.constant 3 : i32
      %add3A_350 = vector.broadcast %add3A_349 : i32 to vector<16xi32>
      %add3A_351 = arith.addi %scan3A_331, %add3A_350 : vector<16xi32>
      %gather3A_352 = tpu.vector_load_idx %arg6[%add3A_351] : memref<25600xi32, #tpu.memory_space<vmem>>[vector<16xi32>], vector<16xi32>,
      %gather3A_353 = tpu.vector_load_idx %arg5[%gather3A_352] : memref<100000xf32, #tpu.memory_space<vmem>>[vector<16xi32>], vector<16xf32>,
      %add3A_354 = arith.addf %scan3A_326, %gather3A_353 : vector<16xf32>
      %add3A_355 = arith.constant 4 : i32
      %add3A_356 = vector.broadcast %add3A_355 : i32 to vector<16xi32>
      %add3A_357 = arith.addi %scan3A_331, %add3A_356 : vector<16xi32>
      %gather3A_358 = tpu.vector_load_idx %arg6[%add3A_357] : memref<25600xi32, #tpu.memory_space<vmem>>[vector<16xi32>], vector<16xi32>,
      %gather3A_359 = tpu.vector_load_idx %arg5[%gather3A_358] : memref<100000xf32, #tpu.memory_space<vmem>>[vector<16xi32>], vector<16xf32>,
      %add3A_360 = arith.addf %scan3A_327, %gather3A_359 : vector<16xf32>
      %add3A_361 = arith.constant 5 : i32
      %add3A_362 = vector.broadcast %add3A_361 : i32 to vector<16xi32>
      %add3A_363 = arith.addi %scan3A_331, %add3A_362 : vector<16xi32>
      %gather3A_364 = tpu.vector_load_idx %arg6[%add3A_363] : memref<25600xi32, #tpu.memory_space<vmem>>[vector<16xi32>], vector<16xi32>,
      %gather3A_365 = tpu.vector_load_idx %arg5[%gather3A_364] : memref<100000xf32, #tpu.memory_space<vmem>>[vector<16xi32>], vector<16xf32>,
      %add3A_366 = arith.addf %scan3A_328, %gather3A_365 : vector<16xf32>
      %add3A_367 = arith.constant 6 : i32
      %add3A_368 = vector.broadcast %add3A_367 : i32 to vector<16xi32>
      %add3A_369 = arith.addi %scan3A_331, %add3A_368 : vector<16xi32>
      %gather3A_370 = tpu.vector_load_idx %arg6[%add3A_369] : memref<25600xi32, #tpu.memory_space<vmem>>[vector<16xi32>], vector<16xi32>,
      %gather3A_371 = tpu.vector_load_idx %arg5[%gather3A_370] : memref<100000xf32, #tpu.memory_space<vmem>>[vector<16xi32>], vector<16xf32>,
      %add3A_372 = arith.addf %scan3A_329, %gather3A_371 : vector<16xf32>
      %add3A_373 = arith.constant 7 : i32
      %add3A_374 = vector.broadcast %add3A_373 : i32 to vector<16xi32>
      %add3A_375 = arith.addi %scan3A_331, %add3A_374 : vector<16xi32>
      %gather3A_376 = tpu.vector_load_idx %arg6[%add3A_375] : memref<25600xi32, #tpu.memory_space<vmem>>[vector<16xi32>], vector<16xi32>,
      %gather3A_377 = tpu.vector_load_idx %arg5[%gather3A_376] : memref<100000xf32, #tpu.memory_space<vmem>>[vector<16xi32>], vector<16xf32>,
      %add3A_378 = arith.addf %scan3A_330, %gather3A_377 : vector<16xf32>
      %add3A_379 = arith.constant 8 : i32
      %add3A_380 = vector.broadcast %add3A_379 : i32 to vector<16xi32>
      %add3A_381 = arith.addi %scan3A_331, %add3A_380 : vector<16xi32>
      scf.yield %add3A_336, %add3A_342, %add3A_348, %add3A_354, %add3A_360, %add3A_366, %add3A_372, %add3A_378, %add3A_381 : vector<16xf32>, vector<16xf32>, vector<16xf32>, vector<16xf32>, vector<16xf32>, vector<16xf32>, vector<16xf32>, vector<16xf32>, vector<16xi32>
    }
    %scan3A_109 = arith.constant 25 : i32
    %add3A_110 = arith.addf %scan3A_108#0, %scan3A_108#1 : vector<16xf32>
    %add3A_111 = arith.addf %scan3A_108#2, %scan3A_108#3 : vector<16xf32>
    %add3A_112 = arith.addf %add3A_110, %add3A_111 : vector<16xf32>
    %add3A_113 = arith.addf %scan3A_108#4, %scan3A_108#5 : vector<16xf32>
    %add3A_114 = arith.addf %add3A_112, %add3A_113 : vector<16xf32>
    %add3A_115 = arith.addf %scan3A_108#6, %scan3A_108#7 : vector<16xf32>
    %add3A_116 = arith.addf %add3A_114, %add3A_115 : vector<16xf32>
    %mul3A_117 = arith.constant 5.000000e-03 : f32
    %mul3A_118 = vector.broadcast %mul3A_117 : f32 to vector<16xf32>
    %mul3A_119 = arith.mulf %add3A_116, %mul3A_118 : vector<16xf32>
    %swap3A_120 = arith.constant 32 : index
    %swap3A_121 = tpu.vector_load %arg7[%swap3A_120] {strides = array<i32>} : memref<128xf32, #tpu.memory_space<vmem>>, vector<16xf32>,
    tpu.vector_store %arg7[%swap3A_120], %mul3A_119 {strides = array<i32>} : memref<128xf32, #tpu.memory_space<vmem>>, vector<16xf32>,
    %broadcast_in_dim3A_122 = arith.constant 48 : i32
    %broadcast_in_dim3A_123 = vector.broadcast %broadcast_in_dim3A_122 : i32 to vector<16xi32>
    %add3A_124 = arith.addi %broadcast_in_dim3A_123, %iota3A : vector<16xi32>
    %mul3A_125 = arith.constant 200 : i32
    %mul3A_126 = vector.broadcast %mul3A_125 : i32 to vector<16xi32>
    %mul3A_127 = arith.muli %add3A_124, %mul3A_126 : vector<16xi32>
    %broadcast_in_dim3A_128 = arith.constant 0.000000e+00 : f32
    %broadcast_in_dim3A_129 = vector.broadcast %broadcast_in_dim3A_128 : f32 to vector<16xf32>
    %broadcast_in_dim3A_130 = arith.constant 0.000000e+00 : f32
    %broadcast_in_dim3A_131 = vector.broadcast %broadcast_in_dim3A_130 : f32 to vector<16xf32>
    %broadcast_in_dim3A_132 = arith.constant 0.000000e+00 : f32
    %broadcast_in_dim3A_133 = vector.broadcast %broadcast_in_dim3A_132 : f32 to vector<16xf32>
    %broadcast_in_dim3A_134 = arith.constant 0.000000e+00 : f32
    %broadcast_in_dim3A_135 = vector.broadcast %broadcast_in_dim3A_134 : f32 to vector<16xf32>
    %broadcast_in_dim3A_136 = arith.constant 0.000000e+00 : f32
    %broadcast_in_dim3A_137 = vector.broadcast %broadcast_in_dim3A_136 : f32 to vector<16xf32>
    %broadcast_in_dim3A_138 = arith.constant 0.000000e+00 : f32
    %broadcast_in_dim3A_139 = vector.broadcast %broadcast_in_dim3A_138 : f32 to vector<16xf32>
    %broadcast_in_dim3A_140 = arith.constant 0.000000e+00 : f32
    %broadcast_in_dim3A_141 = vector.broadcast %broadcast_in_dim3A_140 : f32 to vector<16xf32>
    %broadcast_in_dim3A_142 = arith.constant 0.000000e+00 : f32
    %broadcast_in_dim3A_143 = vector.broadcast %broadcast_in_dim3A_142 : f32 to vector<16xf32>
    %scan3A_144 = arith.constant 0 : i32
    %scan3A_145 = arith.constant 25 : i32
    %scan3A_146 = arith.addi %scan3A_144, %scan3A_145 : i32
    %scan3A_147 = arith.constant 1 : i32
    %scan3A_148:9 = scf.for %scan3A_322 = %scan3A_144 to %scan3A_146 step %scan3A_147 iter_args(%scan3A_323 = %broadcast_in_dim3A_129, %scan3A_324 = %broadcast_in_dim3A_131, %scan3A_325 = %broadcast_in_dim3A_133, %scan3A_326 = %broadcast_in_dim3A_135, %scan3A_327 = %broadcast_in_dim3A_137, %scan3A_328 = %broadcast_in_dim3A_139, %scan3A_329 = %broadcast_in_dim3A_141, %scan3A_330 = %broadcast_in_dim3A_143, %scan3A_331 = %mul3A_127) -> (vector<16xf32>, vector<16xf32>, vector<16xf32>, vector<16xf32>, vector<16xf32>, vector<16xf32>, vector<16xf32>, vector<16xf32>, vector<16xi32>)  : i32 {
      %add3A_332 = arith.constant 0 : i32
      %add3A_333 = vector.broadcast %add3A_332 : i32 to vector<16xi32>
      %add3A_334 = arith.addi %scan3A_331, %add3A_333 : vector<16xi32>
      %gather3A = tpu.vector_load_idx %arg6[%add3A_334] : memref<25600xi32, #tpu.memory_space<vmem>>[vector<16xi32>], vector<16xi32>,
      %gather3A_335 = tpu.vector_load_idx %arg5[%gather3A] : memref<100000xf32, #tpu.memory_space<vmem>>[vector<16xi32>], vector<16xf32>,
      %add3A_336 = arith.addf %scan3A_323, %gather3A_335 : vector<16xf32>
      %add3A_337 = arith.constant 1 : i32
      %add3A_338 = vector.broadcast %add3A_337 : i32 to vector<16xi32>
      %add3A_339 = arith.addi %scan3A_331, %add3A_338 : vector<16xi32>
      %gather3A_340 = tpu.vector_load_idx %arg6[%add3A_339] : memref<25600xi32, #tpu.memory_space<vmem>>[vector<16xi32>], vector<16xi32>,
      %gather3A_341 = tpu.vector_load_idx %arg5[%gather3A_340] : memref<100000xf32, #tpu.memory_space<vmem>>[vector<16xi32>], vector<16xf32>,
      %add3A_342 = arith.addf %scan3A_324, %gather3A_341 : vector<16xf32>
      %add3A_343 = arith.constant 2 : i32
      %add3A_344 = vector.broadcast %add3A_343 : i32 to vector<16xi32>
      %add3A_345 = arith.addi %scan3A_331, %add3A_344 : vector<16xi32>
      %gather3A_346 = tpu.vector_load_idx %arg6[%add3A_345] : memref<25600xi32, #tpu.memory_space<vmem>>[vector<16xi32>], vector<16xi32>,
      %gather3A_347 = tpu.vector_load_idx %arg5[%gather3A_346] : memref<100000xf32, #tpu.memory_space<vmem>>[vector<16xi32>], vector<16xf32>,
      %add3A_348 = arith.addf %scan3A_325, %gather3A_347 : vector<16xf32>
      %add3A_349 = arith.constant 3 : i32
      %add3A_350 = vector.broadcast %add3A_349 : i32 to vector<16xi32>
      %add3A_351 = arith.addi %scan3A_331, %add3A_350 : vector<16xi32>
      %gather3A_352 = tpu.vector_load_idx %arg6[%add3A_351] : memref<25600xi32, #tpu.memory_space<vmem>>[vector<16xi32>], vector<16xi32>,
      %gather3A_353 = tpu.vector_load_idx %arg5[%gather3A_352] : memref<100000xf32, #tpu.memory_space<vmem>>[vector<16xi32>], vector<16xf32>,
      %add3A_354 = arith.addf %scan3A_326, %gather3A_353 : vector<16xf32>
      %add3A_355 = arith.constant 4 : i32
      %add3A_356 = vector.broadcast %add3A_355 : i32 to vector<16xi32>
      %add3A_357 = arith.addi %scan3A_331, %add3A_356 : vector<16xi32>
      %gather3A_358 = tpu.vector_load_idx %arg6[%add3A_357] : memref<25600xi32, #tpu.memory_space<vmem>>[vector<16xi32>], vector<16xi32>,
      %gather3A_359 = tpu.vector_load_idx %arg5[%gather3A_358] : memref<100000xf32, #tpu.memory_space<vmem>>[vector<16xi32>], vector<16xf32>,
      %add3A_360 = arith.addf %scan3A_327, %gather3A_359 : vector<16xf32>
      %add3A_361 = arith.constant 5 : i32
      %add3A_362 = vector.broadcast %add3A_361 : i32 to vector<16xi32>
      %add3A_363 = arith.addi %scan3A_331, %add3A_362 : vector<16xi32>
      %gather3A_364 = tpu.vector_load_idx %arg6[%add3A_363] : memref<25600xi32, #tpu.memory_space<vmem>>[vector<16xi32>], vector<16xi32>,
      %gather3A_365 = tpu.vector_load_idx %arg5[%gather3A_364] : memref<100000xf32, #tpu.memory_space<vmem>>[vector<16xi32>], vector<16xf32>,
      %add3A_366 = arith.addf %scan3A_328, %gather3A_365 : vector<16xf32>
      %add3A_367 = arith.constant 6 : i32
      %add3A_368 = vector.broadcast %add3A_367 : i32 to vector<16xi32>
      %add3A_369 = arith.addi %scan3A_331, %add3A_368 : vector<16xi32>
      %gather3A_370 = tpu.vector_load_idx %arg6[%add3A_369] : memref<25600xi32, #tpu.memory_space<vmem>>[vector<16xi32>], vector<16xi32>,
      %gather3A_371 = tpu.vector_load_idx %arg5[%gather3A_370] : memref<100000xf32, #tpu.memory_space<vmem>>[vector<16xi32>], vector<16xf32>,
      %add3A_372 = arith.addf %scan3A_329, %gather3A_371 : vector<16xf32>
      %add3A_373 = arith.constant 7 : i32
      %add3A_374 = vector.broadcast %add3A_373 : i32 to vector<16xi32>
      %add3A_375 = arith.addi %scan3A_331, %add3A_374 : vector<16xi32>
      %gather3A_376 = tpu.vector_load_idx %arg6[%add3A_375] : memref<25600xi32, #tpu.memory_space<vmem>>[vector<16xi32>], vector<16xi32>,
      %gather3A_377 = tpu.vector_load_idx %arg5[%gather3A_376] : memref<100000xf32, #tpu.memory_space<vmem>>[vector<16xi32>], vector<16xf32>,
      %add3A_378 = arith.addf %scan3A_330, %gather3A_377 : vector<16xf32>
      %add3A_379 = arith.constant 8 : i32
      %add3A_380 = vector.broadcast %add3A_379 : i32 to vector<16xi32>
      %add3A_381 = arith.addi %scan3A_331, %add3A_380 : vector<16xi32>
      scf.yield %add3A_336, %add3A_342, %add3A_348, %add3A_354, %add3A_360, %add3A_366, %add3A_372, %add3A_378, %add3A_381 : vector<16xf32>, vector<16xf32>, vector<16xf32>, vector<16xf32>, vector<16xf32>, vector<16xf32>, vector<16xf32>, vector<16xf32>, vector<16xi32>
    }
    %scan3A_149 = arith.constant 25 : i32
    %add3A_150 = arith.addf %scan3A_148#0, %scan3A_148#1 : vector<16xf32>
    %add3A_151 = arith.addf %scan3A_148#2, %scan3A_148#3 : vector<16xf32>
    %add3A_152 = arith.addf %add3A_150, %add3A_151 : vector<16xf32>
    %add3A_153 = arith.addf %scan3A_148#4, %scan3A_148#5 : vector<16xf32>
    %add3A_154 = arith.addf %add3A_152, %add3A_153 : vector<16xf32>
    %add3A_155 = arith.addf %scan3A_148#6, %scan3A_148#7 : vector<16xf32>
    %add3A_156 = arith.addf %add3A_154, %add3A_155 : vector<16xf32>
    %mul3A_157 = arith.constant 5.000000e-03 : f32
    %mul3A_158 = vector.broadcast %mul3A_157 : f32 to vector<16xf32>
    %mul3A_159 = arith.mulf %add3A_156, %mul3A_158 : vector<16xf32>
    %swap3A_160 = arith.constant 48 : index
    %swap3A_161 = tpu.vector_load %arg7[%swap3A_160] {strides = array<i32>} : memref<128xf32, #tpu.memory_space<vmem>>, vector<16xf32>,
    tpu.vector_store %arg7[%swap3A_160], %mul3A_159 {strides = array<i32>} : memref<128xf32, #tpu.memory_space<vmem>>, vector<16xf32>,
    %broadcast_in_dim3A_162 = arith.constant 64 : i32
    %broadcast_in_dim3A_163 = vector.broadcast %broadcast_in_dim3A_162 : i32 to vector<16xi32>
    %add3A_164 = arith.addi %broadcast_in_dim3A_163, %iota3A : vector<16xi32>
    %mul3A_165 = arith.constant 200 : i32
    %mul3A_166 = vector.broadcast %mul3A_165 : i32 to vector<16xi32>
    %mul3A_167 = arith.muli %add3A_164, %mul3A_166 : vector<16xi32>
    %broadcast_in_dim3A_168 = arith.constant 0.000000e+00 : f32
    %broadcast_in_dim3A_169 = vector.broadcast %broadcast_in_dim3A_168 : f32 to vector<16xf32>
    %broadcast_in_dim3A_170 = arith.constant 0.000000e+00 : f32
    %broadcast_in_dim3A_171 = vector.broadcast %broadcast_in_dim3A_170 : f32 to vector<16xf32>
    %broadcast_in_dim3A_172 = arith.constant 0.000000e+00 : f32
    %broadcast_in_dim3A_173 = vector.broadcast %broadcast_in_dim3A_172 : f32 to vector<16xf32>
    %broadcast_in_dim3A_174 = arith.constant 0.000000e+00 : f32
    %broadcast_in_dim3A_175 = vector.broadcast %broadcast_in_dim3A_174 : f32 to vector<16xf32>
    %broadcast_in_dim3A_176 = arith.constant 0.000000e+00 : f32
    %broadcast_in_dim3A_177 = vector.broadcast %broadcast_in_dim3A_176 : f32 to vector<16xf32>
    %broadcast_in_dim3A_178 = arith.constant 0.000000e+00 : f32
    %broadcast_in_dim3A_179 = vector.broadcast %broadcast_in_dim3A_178 : f32 to vector<16xf32>
    %broadcast_in_dim3A_180 = arith.constant 0.000000e+00 : f32
    %broadcast_in_dim3A_181 = vector.broadcast %broadcast_in_dim3A_180 : f32 to vector<16xf32>
    %broadcast_in_dim3A_182 = arith.constant 0.000000e+00 : f32
    %broadcast_in_dim3A_183 = vector.broadcast %broadcast_in_dim3A_182 : f32 to vector<16xf32>
    %scan3A_184 = arith.constant 0 : i32
    %scan3A_185 = arith.constant 25 : i32
    %scan3A_186 = arith.addi %scan3A_184, %scan3A_185 : i32
    %scan3A_187 = arith.constant 1 : i32
    %scan3A_188:9 = scf.for %scan3A_322 = %scan3A_184 to %scan3A_186 step %scan3A_187 iter_args(%scan3A_323 = %broadcast_in_dim3A_169, %scan3A_324 = %broadcast_in_dim3A_171, %scan3A_325 = %broadcast_in_dim3A_173, %scan3A_326 = %broadcast_in_dim3A_175, %scan3A_327 = %broadcast_in_dim3A_177, %scan3A_328 = %broadcast_in_dim3A_179, %scan3A_329 = %broadcast_in_dim3A_181, %scan3A_330 = %broadcast_in_dim3A_183, %scan3A_331 = %mul3A_167) -> (vector<16xf32>, vector<16xf32>, vector<16xf32>, vector<16xf32>, vector<16xf32>, vector<16xf32>, vector<16xf32>, vector<16xf32>, vector<16xi32>)  : i32 {
      %add3A_332 = arith.constant 0 : i32
      %add3A_333 = vector.broadcast %add3A_332 : i32 to vector<16xi32>
      %add3A_334 = arith.addi %scan3A_331, %add3A_333 : vector<16xi32>
      %gather3A = tpu.vector_load_idx %arg6[%add3A_334] : memref<25600xi32, #tpu.memory_space<vmem>>[vector<16xi32>], vector<16xi32>,
      %gather3A_335 = tpu.vector_load_idx %arg5[%gather3A] : memref<100000xf32, #tpu.memory_space<vmem>>[vector<16xi32>], vector<16xf32>,
      %add3A_336 = arith.addf %scan3A_323, %gather3A_335 : vector<16xf32>
      %add3A_337 = arith.constant 1 : i32
      %add3A_338 = vector.broadcast %add3A_337 : i32 to vector<16xi32>
      %add3A_339 = arith.addi %scan3A_331, %add3A_338 : vector<16xi32>
      %gather3A_340 = tpu.vector_load_idx %arg6[%add3A_339] : memref<25600xi32, #tpu.memory_space<vmem>>[vector<16xi32>], vector<16xi32>,
      %gather3A_341 = tpu.vector_load_idx %arg5[%gather3A_340] : memref<100000xf32, #tpu.memory_space<vmem>>[vector<16xi32>], vector<16xf32>,
      %add3A_342 = arith.addf %scan3A_324, %gather3A_341 : vector<16xf32>
      %add3A_343 = arith.constant 2 : i32
      %add3A_344 = vector.broadcast %add3A_343 : i32 to vector<16xi32>
      %add3A_345 = arith.addi %scan3A_331, %add3A_344 : vector<16xi32>
      %gather3A_346 = tpu.vector_load_idx %arg6[%add3A_345] : memref<25600xi32, #tpu.memory_space<vmem>>[vector<16xi32>], vector<16xi32>,
      %gather3A_347 = tpu.vector_load_idx %arg5[%gather3A_346] : memref<100000xf32, #tpu.memory_space<vmem>>[vector<16xi32>], vector<16xf32>,
      %add3A_348 = arith.addf %scan3A_325, %gather3A_347 : vector<16xf32>
      %add3A_349 = arith.constant 3 : i32
      %add3A_350 = vector.broadcast %add3A_349 : i32 to vector<16xi32>
      %add3A_351 = arith.addi %scan3A_331, %add3A_350 : vector<16xi32>
      %gather3A_352 = tpu.vector_load_idx %arg6[%add3A_351] : memref<25600xi32, #tpu.memory_space<vmem>>[vector<16xi32>], vector<16xi32>,
      %gather3A_353 = tpu.vector_load_idx %arg5[%gather3A_352] : memref<100000xf32, #tpu.memory_space<vmem>>[vector<16xi32>], vector<16xf32>,
      %add3A_354 = arith.addf %scan3A_326, %gather3A_353 : vector<16xf32>
      %add3A_355 = arith.constant 4 : i32
      %add3A_356 = vector.broadcast %add3A_355 : i32 to vector<16xi32>
      %add3A_357 = arith.addi %scan3A_331, %add3A_356 : vector<16xi32>
      %gather3A_358 = tpu.vector_load_idx %arg6[%add3A_357] : memref<25600xi32, #tpu.memory_space<vmem>>[vector<16xi32>], vector<16xi32>,
      %gather3A_359 = tpu.vector_load_idx %arg5[%gather3A_358] : memref<100000xf32, #tpu.memory_space<vmem>>[vector<16xi32>], vector<16xf32>,
      %add3A_360 = arith.addf %scan3A_327, %gather3A_359 : vector<16xf32>
      %add3A_361 = arith.constant 5 : i32
      %add3A_362 = vector.broadcast %add3A_361 : i32 to vector<16xi32>
      %add3A_363 = arith.addi %scan3A_331, %add3A_362 : vector<16xi32>
      %gather3A_364 = tpu.vector_load_idx %arg6[%add3A_363] : memref<25600xi32, #tpu.memory_space<vmem>>[vector<16xi32>], vector<16xi32>,
      %gather3A_365 = tpu.vector_load_idx %arg5[%gather3A_364] : memref<100000xf32, #tpu.memory_space<vmem>>[vector<16xi32>], vector<16xf32>,
      %add3A_366 = arith.addf %scan3A_328, %gather3A_365 : vector<16xf32>
      %add3A_367 = arith.constant 6 : i32
      %add3A_368 = vector.broadcast %add3A_367 : i32 to vector<16xi32>
      %add3A_369 = arith.addi %scan3A_331, %add3A_368 : vector<16xi32>
      %gather3A_370 = tpu.vector_load_idx %arg6[%add3A_369] : memref<25600xi32, #tpu.memory_space<vmem>>[vector<16xi32>], vector<16xi32>,
      %gather3A_371 = tpu.vector_load_idx %arg5[%gather3A_370] : memref<100000xf32, #tpu.memory_space<vmem>>[vector<16xi32>], vector<16xf32>,
      %add3A_372 = arith.addf %scan3A_329, %gather3A_371 : vector<16xf32>
      %add3A_373 = arith.constant 7 : i32
      %add3A_374 = vector.broadcast %add3A_373 : i32 to vector<16xi32>
      %add3A_375 = arith.addi %scan3A_331, %add3A_374 : vector<16xi32>
      %gather3A_376 = tpu.vector_load_idx %arg6[%add3A_375] : memref<25600xi32, #tpu.memory_space<vmem>>[vector<16xi32>], vector<16xi32>,
      %gather3A_377 = tpu.vector_load_idx %arg5[%gather3A_376] : memref<100000xf32, #tpu.memory_space<vmem>>[vector<16xi32>], vector<16xf32>,
      %add3A_378 = arith.addf %scan3A_330, %gather3A_377 : vector<16xf32>
      %add3A_379 = arith.constant 8 : i32
      %add3A_380 = vector.broadcast %add3A_379 : i32 to vector<16xi32>
      %add3A_381 = arith.addi %scan3A_331, %add3A_380 : vector<16xi32>
      scf.yield %add3A_336, %add3A_342, %add3A_348, %add3A_354, %add3A_360, %add3A_366, %add3A_372, %add3A_378, %add3A_381 : vector<16xf32>, vector<16xf32>, vector<16xf32>, vector<16xf32>, vector<16xf32>, vector<16xf32>, vector<16xf32>, vector<16xf32>, vector<16xi32>
    }
    %scan3A_189 = arith.constant 25 : i32
    %add3A_190 = arith.addf %scan3A_188#0, %scan3A_188#1 : vector<16xf32>
    %add3A_191 = arith.addf %scan3A_188#2, %scan3A_188#3 : vector<16xf32>
    %add3A_192 = arith.addf %add3A_190, %add3A_191 : vector<16xf32>
    %add3A_193 = arith.addf %scan3A_188#4, %scan3A_188#5 : vector<16xf32>
    %add3A_194 = arith.addf %add3A_192, %add3A_193 : vector<16xf32>
    %add3A_195 = arith.addf %scan3A_188#6, %scan3A_188#7 : vector<16xf32>
    %add3A_196 = arith.addf %add3A_194, %add3A_195 : vector<16xf32>
    %mul3A_197 = arith.constant 5.000000e-03 : f32
    %mul3A_198 = vector.broadcast %mul3A_197 : f32 to vector<16xf32>
    %mul3A_199 = arith.mulf %add3A_196, %mul3A_198 : vector<16xf32>
    %swap3A_200 = arith.constant 64 : index
    %swap3A_201 = tpu.vector_load %arg7[%swap3A_200] {strides = array<i32>} : memref<128xf32, #tpu.memory_space<vmem>>, vector<16xf32>,
    tpu.vector_store %arg7[%swap3A_200], %mul3A_199 {strides = array<i32>} : memref<128xf32, #tpu.memory_space<vmem>>, vector<16xf32>,
    %broadcast_in_dim3A_202 = arith.constant 80 : i32
    %broadcast_in_dim3A_203 = vector.broadcast %broadcast_in_dim3A_202 : i32 to vector<16xi32>
    %add3A_204 = arith.addi %broadcast_in_dim3A_203, %iota3A : vector<16xi32>
    %mul3A_205 = arith.constant 200 : i32
    %mul3A_206 = vector.broadcast %mul3A_205 : i32 to vector<16xi32>
    %mul3A_207 = arith.muli %add3A_204, %mul3A_206 : vector<16xi32>
    %broadcast_in_dim3A_208 = arith.constant 0.000000e+00 : f32
    %broadcast_in_dim3A_209 = vector.broadcast %broadcast_in_dim3A_208 : f32 to vector<16xf32>
    %broadcast_in_dim3A_210 = arith.constant 0.000000e+00 : f32
    %broadcast_in_dim3A_211 = vector.broadcast %broadcast_in_dim3A_210 : f32 to vector<16xf32>
    %broadcast_in_dim3A_212 = arith.constant 0.000000e+00 : f32
    %broadcast_in_dim3A_213 = vector.broadcast %broadcast_in_dim3A_212 : f32 to vector<16xf32>
    %broadcast_in_dim3A_214 = arith.constant 0.000000e+00 : f32
    %broadcast_in_dim3A_215 = vector.broadcast %broadcast_in_dim3A_214 : f32 to vector<16xf32>
    %broadcast_in_dim3A_216 = arith.constant 0.000000e+00 : f32
    %broadcast_in_dim3A_217 = vector.broadcast %broadcast_in_dim3A_216 : f32 to vector<16xf32>
    %broadcast_in_dim3A_218 = arith.constant 0.000000e+00 : f32
    %broadcast_in_dim3A_219 = vector.broadcast %broadcast_in_dim3A_218 : f32 to vector<16xf32>
    %broadcast_in_dim3A_220 = arith.constant 0.000000e+00 : f32
    %broadcast_in_dim3A_221 = vector.broadcast %broadcast_in_dim3A_220 : f32 to vector<16xf32>
    %broadcast_in_dim3A_222 = arith.constant 0.000000e+00 : f32
    %broadcast_in_dim3A_223 = vector.broadcast %broadcast_in_dim3A_222 : f32 to vector<16xf32>
    %scan3A_224 = arith.constant 0 : i32
    %scan3A_225 = arith.constant 25 : i32
    %scan3A_226 = arith.addi %scan3A_224, %scan3A_225 : i32
    %scan3A_227 = arith.constant 1 : i32
    %scan3A_228:9 = scf.for %scan3A_322 = %scan3A_224 to %scan3A_226 step %scan3A_227 iter_args(%scan3A_323 = %broadcast_in_dim3A_209, %scan3A_324 = %broadcast_in_dim3A_211, %scan3A_325 = %broadcast_in_dim3A_213, %scan3A_326 = %broadcast_in_dim3A_215, %scan3A_327 = %broadcast_in_dim3A_217, %scan3A_328 = %broadcast_in_dim3A_219, %scan3A_329 = %broadcast_in_dim3A_221, %scan3A_330 = %broadcast_in_dim3A_223, %scan3A_331 = %mul3A_207) -> (vector<16xf32>, vector<16xf32>, vector<16xf32>, vector<16xf32>, vector<16xf32>, vector<16xf32>, vector<16xf32>, vector<16xf32>, vector<16xi32>)  : i32 {
      %add3A_332 = arith.constant 0 : i32
      %add3A_333 = vector.broadcast %add3A_332 : i32 to vector<16xi32>
      %add3A_334 = arith.addi %scan3A_331, %add3A_333 : vector<16xi32>
      %gather3A = tpu.vector_load_idx %arg6[%add3A_334] : memref<25600xi32, #tpu.memory_space<vmem>>[vector<16xi32>], vector<16xi32>,
      %gather3A_335 = tpu.vector_load_idx %arg5[%gather3A] : memref<100000xf32, #tpu.memory_space<vmem>>[vector<16xi32>], vector<16xf32>,
      %add3A_336 = arith.addf %scan3A_323, %gather3A_335 : vector<16xf32>
      %add3A_337 = arith.constant 1 : i32
      %add3A_338 = vector.broadcast %add3A_337 : i32 to vector<16xi32>
      %add3A_339 = arith.addi %scan3A_331, %add3A_338 : vector<16xi32>
      %gather3A_340 = tpu.vector_load_idx %arg6[%add3A_339] : memref<25600xi32, #tpu.memory_space<vmem>>[vector<16xi32>], vector<16xi32>,
      %gather3A_341 = tpu.vector_load_idx %arg5[%gather3A_340] : memref<100000xf32, #tpu.memory_space<vmem>>[vector<16xi32>], vector<16xf32>,
      %add3A_342 = arith.addf %scan3A_324, %gather3A_341 : vector<16xf32>
      %add3A_343 = arith.constant 2 : i32
      %add3A_344 = vector.broadcast %add3A_343 : i32 to vector<16xi32>
      %add3A_345 = arith.addi %scan3A_331, %add3A_344 : vector<16xi32>
      %gather3A_346 = tpu.vector_load_idx %arg6[%add3A_345] : memref<25600xi32, #tpu.memory_space<vmem>>[vector<16xi32>], vector<16xi32>,
      %gather3A_347 = tpu.vector_load_idx %arg5[%gather3A_346] : memref<100000xf32, #tpu.memory_space<vmem>>[vector<16xi32>], vector<16xf32>,
      %add3A_348 = arith.addf %scan3A_325, %gather3A_347 : vector<16xf32>
      %add3A_349 = arith.constant 3 : i32
      %add3A_350 = vector.broadcast %add3A_349 : i32 to vector<16xi32>
      %add3A_351 = arith.addi %scan3A_331, %add3A_350 : vector<16xi32>
      %gather3A_352 = tpu.vector_load_idx %arg6[%add3A_351] : memref<25600xi32, #tpu.memory_space<vmem>>[vector<16xi32>], vector<16xi32>,
      %gather3A_353 = tpu.vector_load_idx %arg5[%gather3A_352] : memref<100000xf32, #tpu.memory_space<vmem>>[vector<16xi32>], vector<16xf32>,
      %add3A_354 = arith.addf %scan3A_326, %gather3A_353 : vector<16xf32>
      %add3A_355 = arith.constant 4 : i32
      %add3A_356 = vector.broadcast %add3A_355 : i32 to vector<16xi32>
      %add3A_357 = arith.addi %scan3A_331, %add3A_356 : vector<16xi32>
      %gather3A_358 = tpu.vector_load_idx %arg6[%add3A_357] : memref<25600xi32, #tpu.memory_space<vmem>>[vector<16xi32>], vector<16xi32>,
      %gather3A_359 = tpu.vector_load_idx %arg5[%gather3A_358] : memref<100000xf32, #tpu.memory_space<vmem>>[vector<16xi32>], vector<16xf32>,
      %add3A_360 = arith.addf %scan3A_327, %gather3A_359 : vector<16xf32>
      %add3A_361 = arith.constant 5 : i32
      %add3A_362 = vector.broadcast %add3A_361 : i32 to vector<16xi32>
      %add3A_363 = arith.addi %scan3A_331, %add3A_362 : vector<16xi32>
      %gather3A_364 = tpu.vector_load_idx %arg6[%add3A_363] : memref<25600xi32, #tpu.memory_space<vmem>>[vector<16xi32>], vector<16xi32>,
      %gather3A_365 = tpu.vector_load_idx %arg5[%gather3A_364] : memref<100000xf32, #tpu.memory_space<vmem>>[vector<16xi32>], vector<16xf32>,
      %add3A_366 = arith.addf %scan3A_328, %gather3A_365 : vector<16xf32>
      %add3A_367 = arith.constant 6 : i32
      %add3A_368 = vector.broadcast %add3A_367 : i32 to vector<16xi32>
      %add3A_369 = arith.addi %scan3A_331, %add3A_368 : vector<16xi32>
      %gather3A_370 = tpu.vector_load_idx %arg6[%add3A_369] : memref<25600xi32, #tpu.memory_space<vmem>>[vector<16xi32>], vector<16xi32>,
      %gather3A_371 = tpu.vector_load_idx %arg5[%gather3A_370] : memref<100000xf32, #tpu.memory_space<vmem>>[vector<16xi32>], vector<16xf32>,
      %add3A_372 = arith.addf %scan3A_329, %gather3A_371 : vector<16xf32>
      %add3A_373 = arith.constant 7 : i32
      %add3A_374 = vector.broadcast %add3A_373 : i32 to vector<16xi32>
      %add3A_375 = arith.addi %scan3A_331, %add3A_374 : vector<16xi32>
      %gather3A_376 = tpu.vector_load_idx %arg6[%add3A_375] : memref<25600xi32, #tpu.memory_space<vmem>>[vector<16xi32>], vector<16xi32>,
      %gather3A_377 = tpu.vector_load_idx %arg5[%gather3A_376] : memref<100000xf32, #tpu.memory_space<vmem>>[vector<16xi32>], vector<16xf32>,
      %add3A_378 = arith.addf %scan3A_330, %gather3A_377 : vector<16xf32>
      %add3A_379 = arith.constant 8 : i32
      %add3A_380 = vector.broadcast %add3A_379 : i32 to vector<16xi32>
      %add3A_381 = arith.addi %scan3A_331, %add3A_380 : vector<16xi32>
      scf.yield %add3A_336, %add3A_342, %add3A_348, %add3A_354, %add3A_360, %add3A_366, %add3A_372, %add3A_378, %add3A_381 : vector<16xf32>, vector<16xf32>, vector<16xf32>, vector<16xf32>, vector<16xf32>, vector<16xf32>, vector<16xf32>, vector<16xf32>, vector<16xi32>
    }
    %scan3A_229 = arith.constant 25 : i32
    %add3A_230 = arith.addf %scan3A_228#0, %scan3A_228#1 : vector<16xf32>
    %add3A_231 = arith.addf %scan3A_228#2, %scan3A_228#3 : vector<16xf32>
    %add3A_232 = arith.addf %add3A_230, %add3A_231 : vector<16xf32>
    %add3A_233 = arith.addf %scan3A_228#4, %scan3A_228#5 : vector<16xf32>
    %add3A_234 = arith.addf %add3A_232, %add3A_233 : vector<16xf32>
    %add3A_235 = arith.addf %scan3A_228#6, %scan3A_228#7 : vector<16xf32>
    %add3A_236 = arith.addf %add3A_234, %add3A_235 : vector<16xf32>
    %mul3A_237 = arith.constant 5.000000e-03 : f32
    %mul3A_238 = vector.broadcast %mul3A_237 : f32 to vector<16xf32>
    %mul3A_239 = arith.mulf %add3A_236, %mul3A_238 : vector<16xf32>
    %swap3A_240 = arith.constant 80 : index
    %swap3A_241 = tpu.vector_load %arg7[%swap3A_240] {strides = array<i32>} : memref<128xf32, #tpu.memory_space<vmem>>, vector<16xf32>,
    tpu.vector_store %arg7[%swap3A_240], %mul3A_239 {strides = array<i32>} : memref<128xf32, #tpu.memory_space<vmem>>, vector<16xf32>,
    %broadcast_in_dim3A_242 = arith.constant 96 : i32
    %broadcast_in_dim3A_243 = vector.broadcast %broadcast_in_dim3A_242 : i32 to vector<16xi32>
    %add3A_244 = arith.addi %broadcast_in_dim3A_243, %iota3A : vector<16xi32>
    %mul3A_245 = arith.constant 200 : i32
    %mul3A_246 = vector.broadcast %mul3A_245 : i32 to vector<16xi32>
    %mul3A_247 = arith.muli %add3A_244, %mul3A_246 : vector<16xi32>
    %broadcast_in_dim3A_248 = arith.constant 0.000000e+00 : f32
    %broadcast_in_dim3A_249 = vector.broadcast %broadcast_in_dim3A_248 : f32 to vector<16xf32>
    %broadcast_in_dim3A_250 = arith.constant 0.000000e+00 : f32
    %broadcast_in_dim3A_251 = vector.broadcast %broadcast_in_dim3A_250 : f32 to vector<16xf32>
    %broadcast_in_dim3A_252 = arith.constant 0.000000e+00 : f32
    %broadcast_in_dim3A_253 = vector.broadcast %broadcast_in_dim3A_252 : f32 to vector<16xf32>
    %broadcast_in_dim3A_254 = arith.constant 0.000000e+00 : f32
    %broadcast_in_dim3A_255 = vector.broadcast %broadcast_in_dim3A_254 : f32 to vector<16xf32>
    %broadcast_in_dim3A_256 = arith.constant 0.000000e+00 : f32
    %broadcast_in_dim3A_257 = vector.broadcast %broadcast_in_dim3A_256 : f32 to vector<16xf32>
    %broadcast_in_dim3A_258 = arith.constant 0.000000e+00 : f32
    %broadcast_in_dim3A_259 = vector.broadcast %broadcast_in_dim3A_258 : f32 to vector<16xf32>
    %broadcast_in_dim3A_260 = arith.constant 0.000000e+00 : f32
    %broadcast_in_dim3A_261 = vector.broadcast %broadcast_in_dim3A_260 : f32 to vector<16xf32>
    %broadcast_in_dim3A_262 = arith.constant 0.000000e+00 : f32
    %broadcast_in_dim3A_263 = vector.broadcast %broadcast_in_dim3A_262 : f32 to vector<16xf32>
    %scan3A_264 = arith.constant 0 : i32
    %scan3A_265 = arith.constant 25 : i32
    %scan3A_266 = arith.addi %scan3A_264, %scan3A_265 : i32
    %scan3A_267 = arith.constant 1 : i32
    %scan3A_268:9 = scf.for %scan3A_322 = %scan3A_264 to %scan3A_266 step %scan3A_267 iter_args(%scan3A_323 = %broadcast_in_dim3A_249, %scan3A_324 = %broadcast_in_dim3A_251, %scan3A_325 = %broadcast_in_dim3A_253, %scan3A_326 = %broadcast_in_dim3A_255, %scan3A_327 = %broadcast_in_dim3A_257, %scan3A_328 = %broadcast_in_dim3A_259, %scan3A_329 = %broadcast_in_dim3A_261, %scan3A_330 = %broadcast_in_dim3A_263, %scan3A_331 = %mul3A_247) -> (vector<16xf32>, vector<16xf32>, vector<16xf32>, vector<16xf32>, vector<16xf32>, vector<16xf32>, vector<16xf32>, vector<16xf32>, vector<16xi32>)  : i32 {
      %add3A_332 = arith.constant 0 : i32
      %add3A_333 = vector.broadcast %add3A_332 : i32 to vector<16xi32>
      %add3A_334 = arith.addi %scan3A_331, %add3A_333 : vector<16xi32>
      %gather3A = tpu.vector_load_idx %arg6[%add3A_334] : memref<25600xi32, #tpu.memory_space<vmem>>[vector<16xi32>], vector<16xi32>,
      %gather3A_335 = tpu.vector_load_idx %arg5[%gather3A] : memref<100000xf32, #tpu.memory_space<vmem>>[vector<16xi32>], vector<16xf32>,
      %add3A_336 = arith.addf %scan3A_323, %gather3A_335 : vector<16xf32>
      %add3A_337 = arith.constant 1 : i32
      %add3A_338 = vector.broadcast %add3A_337 : i32 to vector<16xi32>
      %add3A_339 = arith.addi %scan3A_331, %add3A_338 : vector<16xi32>
      %gather3A_340 = tpu.vector_load_idx %arg6[%add3A_339] : memref<25600xi32, #tpu.memory_space<vmem>>[vector<16xi32>], vector<16xi32>,
      %gather3A_341 = tpu.vector_load_idx %arg5[%gather3A_340] : memref<100000xf32, #tpu.memory_space<vmem>>[vector<16xi32>], vector<16xf32>,
      %add3A_342 = arith.addf %scan3A_324, %gather3A_341 : vector<16xf32>
      %add3A_343 = arith.constant 2 : i32
      %add3A_344 = vector.broadcast %add3A_343 : i32 to vector<16xi32>
      %add3A_345 = arith.addi %scan3A_331, %add3A_344 : vector<16xi32>
      %gather3A_346 = tpu.vector_load_idx %arg6[%add3A_345] : memref<25600xi32, #tpu.memory_space<vmem>>[vector<16xi32>], vector<16xi32>,
      %gather3A_347 = tpu.vector_load_idx %arg5[%gather3A_346] : memref<100000xf32, #tpu.memory_space<vmem>>[vector<16xi32>], vector<16xf32>,
      %add3A_348 = arith.addf %scan3A_325, %gather3A_347 : vector<16xf32>
      %add3A_349 = arith.constant 3 : i32
      %add3A_350 = vector.broadcast %add3A_349 : i32 to vector<16xi32>
      %add3A_351 = arith.addi %scan3A_331, %add3A_350 : vector<16xi32>
      %gather3A_352 = tpu.vector_load_idx %arg6[%add3A_351] : memref<25600xi32, #tpu.memory_space<vmem>>[vector<16xi32>], vector<16xi32>,
      %gather3A_353 = tpu.vector_load_idx %arg5[%gather3A_352] : memref<100000xf32, #tpu.memory_space<vmem>>[vector<16xi32>], vector<16xf32>,
      %add3A_354 = arith.addf %scan3A_326, %gather3A_353 : vector<16xf32>
      %add3A_355 = arith.constant 4 : i32
      %add3A_356 = vector.broadcast %add3A_355 : i32 to vector<16xi32>
      %add3A_357 = arith.addi %scan3A_331, %add3A_356 : vector<16xi32>
      %gather3A_358 = tpu.vector_load_idx %arg6[%add3A_357] : memref<25600xi32, #tpu.memory_space<vmem>>[vector<16xi32>], vector<16xi32>,
      %gather3A_359 = tpu.vector_load_idx %arg5[%gather3A_358] : memref<100000xf32, #tpu.memory_space<vmem>>[vector<16xi32>], vector<16xf32>,
      %add3A_360 = arith.addf %scan3A_327, %gather3A_359 : vector<16xf32>
      %add3A_361 = arith.constant 5 : i32
      %add3A_362 = vector.broadcast %add3A_361 : i32 to vector<16xi32>
      %add3A_363 = arith.addi %scan3A_331, %add3A_362 : vector<16xi32>
      %gather3A_364 = tpu.vector_load_idx %arg6[%add3A_363] : memref<25600xi32, #tpu.memory_space<vmem>>[vector<16xi32>], vector<16xi32>,
      %gather3A_365 = tpu.vector_load_idx %arg5[%gather3A_364] : memref<100000xf32, #tpu.memory_space<vmem>>[vector<16xi32>], vector<16xf32>,
      %add3A_366 = arith.addf %scan3A_328, %gather3A_365 : vector<16xf32>
      %add3A_367 = arith.constant 6 : i32
      %add3A_368 = vector.broadcast %add3A_367 : i32 to vector<16xi32>
      %add3A_369 = arith.addi %scan3A_331, %add3A_368 : vector<16xi32>
      %gather3A_370 = tpu.vector_load_idx %arg6[%add3A_369] : memref<25600xi32, #tpu.memory_space<vmem>>[vector<16xi32>], vector<16xi32>,
      %gather3A_371 = tpu.vector_load_idx %arg5[%gather3A_370] : memref<100000xf32, #tpu.memory_space<vmem>>[vector<16xi32>], vector<16xf32>,
      %add3A_372 = arith.addf %scan3A_329, %gather3A_371 : vector<16xf32>
      %add3A_373 = arith.constant 7 : i32
      %add3A_374 = vector.broadcast %add3A_373 : i32 to vector<16xi32>
      %add3A_375 = arith.addi %scan3A_331, %add3A_374 : vector<16xi32>
      %gather3A_376 = tpu.vector_load_idx %arg6[%add3A_375] : memref<25600xi32, #tpu.memory_space<vmem>>[vector<16xi32>], vector<16xi32>,
      %gather3A_377 = tpu.vector_load_idx %arg5[%gather3A_376] : memref<100000xf32, #tpu.memory_space<vmem>>[vector<16xi32>], vector<16xf32>,
      %add3A_378 = arith.addf %scan3A_330, %gather3A_377 : vector<16xf32>
      %add3A_379 = arith.constant 8 : i32
      %add3A_380 = vector.broadcast %add3A_379 : i32 to vector<16xi32>
      %add3A_381 = arith.addi %scan3A_331, %add3A_380 : vector<16xi32>
      scf.yield %add3A_336, %add3A_342, %add3A_348, %add3A_354, %add3A_360, %add3A_366, %add3A_372, %add3A_378, %add3A_381 : vector<16xf32>, vector<16xf32>, vector<16xf32>, vector<16xf32>, vector<16xf32>, vector<16xf32>, vector<16xf32>, vector<16xf32>, vector<16xi32>
    }
    %scan3A_269 = arith.constant 25 : i32
    %add3A_270 = arith.addf %scan3A_268#0, %scan3A_268#1 : vector<16xf32>
    %add3A_271 = arith.addf %scan3A_268#2, %scan3A_268#3 : vector<16xf32>
    %add3A_272 = arith.addf %add3A_270, %add3A_271 : vector<16xf32>
    %add3A_273 = arith.addf %scan3A_268#4, %scan3A_268#5 : vector<16xf32>
    %add3A_274 = arith.addf %add3A_272, %add3A_273 : vector<16xf32>
    %add3A_275 = arith.addf %scan3A_268#6, %scan3A_268#7 : vector<16xf32>
    %add3A_276 = arith.addf %add3A_274, %add3A_275 : vector<16xf32>
    %mul3A_277 = arith.constant 5.000000e-03 : f32
    %mul3A_278 = vector.broadcast %mul3A_277 : f32 to vector<16xf32>
    %mul3A_279 = arith.mulf %add3A_276, %mul3A_278 : vector<16xf32>
    %swap3A_280 = arith.constant 96 : index
    %swap3A_281 = tpu.vector_load %arg7[%swap3A_280] {strides = array<i32>} : memref<128xf32, #tpu.memory_space<vmem>>, vector<16xf32>,
    tpu.vector_store %arg7[%swap3A_280], %mul3A_279 {strides = array<i32>} : memref<128xf32, #tpu.memory_space<vmem>>, vector<16xf32>,
    %broadcast_in_dim3A_282 = arith.constant 112 : i32
    %broadcast_in_dim3A_283 = vector.broadcast %broadcast_in_dim3A_282 : i32 to vector<16xi32>
    %add3A_284 = arith.addi %broadcast_in_dim3A_283, %iota3A : vector<16xi32>
    %mul3A_285 = arith.constant 200 : i32
    %mul3A_286 = vector.broadcast %mul3A_285 : i32 to vector<16xi32>
    %mul3A_287 = arith.muli %add3A_284, %mul3A_286 : vector<16xi32>
    %broadcast_in_dim3A_288 = arith.constant 0.000000e+00 : f32
    %broadcast_in_dim3A_289 = vector.broadcast %broadcast_in_dim3A_288 : f32 to vector<16xf32>
    %broadcast_in_dim3A_290 = arith.constant 0.000000e+00 : f32
    %broadcast_in_dim3A_291 = vector.broadcast %broadcast_in_dim3A_290 : f32 to vector<16xf32>
    %broadcast_in_dim3A_292 = arith.constant 0.000000e+00 : f32
    %broadcast_in_dim3A_293 = vector.broadcast %broadcast_in_dim3A_292 : f32 to vector<16xf32>
    %broadcast_in_dim3A_294 = arith.constant 0.000000e+00 : f32
    %broadcast_in_dim3A_295 = vector.broadcast %broadcast_in_dim3A_294 : f32 to vector<16xf32>
    %broadcast_in_dim3A_296 = arith.constant 0.000000e+00 : f32
    %broadcast_in_dim3A_297 = vector.broadcast %broadcast_in_dim3A_296 : f32 to vector<16xf32>
    %broadcast_in_dim3A_298 = arith.constant 0.000000e+00 : f32
    %broadcast_in_dim3A_299 = vector.broadcast %broadcast_in_dim3A_298 : f32 to vector<16xf32>
    %broadcast_in_dim3A_300 = arith.constant 0.000000e+00 : f32
    %broadcast_in_dim3A_301 = vector.broadcast %broadcast_in_dim3A_300 : f32 to vector<16xf32>
    %broadcast_in_dim3A_302 = arith.constant 0.000000e+00 : f32
    %broadcast_in_dim3A_303 = vector.broadcast %broadcast_in_dim3A_302 : f32 to vector<16xf32>
    %scan3A_304 = arith.constant 0 : i32
    %scan3A_305 = arith.constant 25 : i32
    %scan3A_306 = arith.addi %scan3A_304, %scan3A_305 : i32
    %scan3A_307 = arith.constant 1 : i32
    %scan3A_308:9 = scf.for %scan3A_322 = %scan3A_304 to %scan3A_306 step %scan3A_307 iter_args(%scan3A_323 = %broadcast_in_dim3A_289, %scan3A_324 = %broadcast_in_dim3A_291, %scan3A_325 = %broadcast_in_dim3A_293, %scan3A_326 = %broadcast_in_dim3A_295, %scan3A_327 = %broadcast_in_dim3A_297, %scan3A_328 = %broadcast_in_dim3A_299, %scan3A_329 = %broadcast_in_dim3A_301, %scan3A_330 = %broadcast_in_dim3A_303, %scan3A_331 = %mul3A_287) -> (vector<16xf32>, vector<16xf32>, vector<16xf32>, vector<16xf32>, vector<16xf32>, vector<16xf32>, vector<16xf32>, vector<16xf32>, vector<16xi32>)  : i32 {
      %add3A_332 = arith.constant 0 : i32
      %add3A_333 = vector.broadcast %add3A_332 : i32 to vector<16xi32>
      %add3A_334 = arith.addi %scan3A_331, %add3A_333 : vector<16xi32>
      %gather3A = tpu.vector_load_idx %arg6[%add3A_334] : memref<25600xi32, #tpu.memory_space<vmem>>[vector<16xi32>], vector<16xi32>,
      %gather3A_335 = tpu.vector_load_idx %arg5[%gather3A] : memref<100000xf32, #tpu.memory_space<vmem>>[vector<16xi32>], vector<16xf32>,
      %add3A_336 = arith.addf %scan3A_323, %gather3A_335 : vector<16xf32>
      %add3A_337 = arith.constant 1 : i32
      %add3A_338 = vector.broadcast %add3A_337 : i32 to vector<16xi32>
      %add3A_339 = arith.addi %scan3A_331, %add3A_338 : vector<16xi32>
      %gather3A_340 = tpu.vector_load_idx %arg6[%add3A_339] : memref<25600xi32, #tpu.memory_space<vmem>>[vector<16xi32>], vector<16xi32>,
      %gather3A_341 = tpu.vector_load_idx %arg5[%gather3A_340] : memref<100000xf32, #tpu.memory_space<vmem>>[vector<16xi32>], vector<16xf32>,
      %add3A_342 = arith.addf %scan3A_324, %gather3A_341 : vector<16xf32>
      %add3A_343 = arith.constant 2 : i32
      %add3A_344 = vector.broadcast %add3A_343 : i32 to vector<16xi32>
      %add3A_345 = arith.addi %scan3A_331, %add3A_344 : vector<16xi32>
      %gather3A_346 = tpu.vector_load_idx %arg6[%add3A_345] : memref<25600xi32, #tpu.memory_space<vmem>>[vector<16xi32>], vector<16xi32>,
      %gather3A_347 = tpu.vector_load_idx %arg5[%gather3A_346] : memref<100000xf32, #tpu.memory_space<vmem>>[vector<16xi32>], vector<16xf32>,
      %add3A_348 = arith.addf %scan3A_325, %gather3A_347 : vector<16xf32>
      %add3A_349 = arith.constant 3 : i32
      %add3A_350 = vector.broadcast %add3A_349 : i32 to vector<16xi32>
      %add3A_351 = arith.addi %scan3A_331, %add3A_350 : vector<16xi32>
      %gather3A_352 = tpu.vector_load_idx %arg6[%add3A_351] : memref<25600xi32, #tpu.memory_space<vmem>>[vector<16xi32>], vector<16xi32>,
      %gather3A_353 = tpu.vector_load_idx %arg5[%gather3A_352] : memref<100000xf32, #tpu.memory_space<vmem>>[vector<16xi32>], vector<16xf32>,
      %add3A_354 = arith.addf %scan3A_326, %gather3A_353 : vector<16xf32>
      %add3A_355 = arith.constant 4 : i32
      %add3A_356 = vector.broadcast %add3A_355 : i32 to vector<16xi32>
      %add3A_357 = arith.addi %scan3A_331, %add3A_356 : vector<16xi32>
      %gather3A_358 = tpu.vector_load_idx %arg6[%add3A_357] : memref<25600xi32, #tpu.memory_space<vmem>>[vector<16xi32>], vector<16xi32>,
      %gather3A_359 = tpu.vector_load_idx %arg5[%gather3A_358] : memref<100000xf32, #tpu.memory_space<vmem>>[vector<16xi32>], vector<16xf32>,
      %add3A_360 = arith.addf %scan3A_327, %gather3A_359 : vector<16xf32>
      %add3A_361 = arith.constant 5 : i32
      %add3A_362 = vector.broadcast %add3A_361 : i32 to vector<16xi32>
      %add3A_363 = arith.addi %scan3A_331, %add3A_362 : vector<16xi32>
      %gather3A_364 = tpu.vector_load_idx %arg6[%add3A_363] : memref<25600xi32, #tpu.memory_space<vmem>>[vector<16xi32>], vector<16xi32>,
      %gather3A_365 = tpu.vector_load_idx %arg5[%gather3A_364] : memref<100000xf32, #tpu.memory_space<vmem>>[vector<16xi32>], vector<16xf32>,
      %add3A_366 = arith.addf %scan3A_328, %gather3A_365 : vector<16xf32>
      %add3A_367 = arith.constant 6 : i32
      %add3A_368 = vector.broadcast %add3A_367 : i32 to vector<16xi32>
      %add3A_369 = arith.addi %scan3A_331, %add3A_368 : vector<16xi32>
      %gather3A_370 = tpu.vector_load_idx %arg6[%add3A_369] : memref<25600xi32, #tpu.memory_space<vmem>>[vector<16xi32>], vector<16xi32>,
      %gather3A_371 = tpu.vector_load_idx %arg5[%gather3A_370] : memref<100000xf32, #tpu.memory_space<vmem>>[vector<16xi32>], vector<16xf32>,
      %add3A_372 = arith.addf %scan3A_329, %gather3A_371 : vector<16xf32>
      %add3A_373 = arith.constant 7 : i32
      %add3A_374 = vector.broadcast %add3A_373 : i32 to vector<16xi32>
      %add3A_375 = arith.addi %scan3A_331, %add3A_374 : vector<16xi32>
      %gather3A_376 = tpu.vector_load_idx %arg6[%add3A_375] : memref<25600xi32, #tpu.memory_space<vmem>>[vector<16xi32>], vector<16xi32>,
      %gather3A_377 = tpu.vector_load_idx %arg5[%gather3A_376] : memref<100000xf32, #tpu.memory_space<vmem>>[vector<16xi32>], vector<16xf32>,
      %add3A_378 = arith.addf %scan3A_330, %gather3A_377 : vector<16xf32>
      %add3A_379 = arith.constant 8 : i32
      %add3A_380 = vector.broadcast %add3A_379 : i32 to vector<16xi32>
      %add3A_381 = arith.addi %scan3A_331, %add3A_380 : vector<16xi32>
      scf.yield %add3A_336, %add3A_342, %add3A_348, %add3A_354, %add3A_360, %add3A_366, %add3A_372, %add3A_378, %add3A_381 : vector<16xf32>, vector<16xf32>, vector<16xf32>, vector<16xf32>, vector<16xf32>, vector<16xf32>, vector<16xf32>, vector<16xf32>, vector<16xi32>
    }
    %scan3A_309 = arith.constant 25 : i32
    %add3A_310 = arith.addf %scan3A_308#0, %scan3A_308#1 : vector<16xf32>
    %add3A_311 = arith.addf %scan3A_308#2, %scan3A_308#3 : vector<16xf32>
    %add3A_312 = arith.addf %add3A_310, %add3A_311 : vector<16xf32>
    %add3A_313 = arith.addf %scan3A_308#4, %scan3A_308#5 : vector<16xf32>
    %add3A_314 = arith.addf %add3A_312, %add3A_313 : vector<16xf32>
    %add3A_315 = arith.addf %scan3A_308#6, %scan3A_308#7 : vector<16xf32>
    %add3A_316 = arith.addf %add3A_314, %add3A_315 : vector<16xf32>
    %mul3A_317 = arith.constant 5.000000e-03 : f32
    %mul3A_318 = vector.broadcast %mul3A_317 : f32 to vector<16xf32>
    %mul3A_319 = arith.mulf %add3A_316, %mul3A_318 : vector<16xf32>
    %swap3A_320 = arith.constant 112 : index
    %swap3A_321 = tpu.vector_load %arg7[%swap3A_320] {strides = array<i32>} : memref<128xf32, #tpu.memory_space<vmem>>, vector<16xf32>,
    tpu.vector_store %arg7[%swap3A_320], %mul3A_319 {strides = array<i32>} : memref<128xf32, #tpu.memory_space<vmem>>, vector<16xf32>,
    "tpu.region"() ({
      %run_scoped3A = tpu.sem_alloc : memref<!tpu.dma_semaphore, #tpu.memory_space<semaphore_mem>>
      %dma_start3A = tpu.memref_slice %arg4[%mul3A_2] : memref<4096xf32, #tpu.memory_space<hbm>> -> memref<128xf32, #tpu.memory_space<hbm>>
      %dma_start3A_322 = tpu.memref_slice %arg4[%mul3A_2] : memref<4096xf32, #tpu.memory_space<hbm>> -> memref<128xf32, #tpu.memory_space<hbm>>
      tpu.enqueue_dma source(%arg7 : memref<128xf32, #tpu.memory_space<vmem>>) target(%dma_start3A_322 : memref<128xf32, #tpu.memory_space<hbm>>) target_semaphore(%run_scoped3A : memref<!tpu.dma_semaphore, #tpu.memory_space<semaphore_mem>>)
      %dma_wait3A = tpu.memref_slice %arg4[%mul3A_2] : memref<4096xf32, #tpu.memory_space<hbm>> -> memref<128xf32, #tpu.memory_space<hbm>>
      %dma_wait3A_323 = tpu.memref_slice %arg4[%mul3A_2] : memref<4096xf32, #tpu.memory_space<hbm>> -> memref<128xf32, #tpu.memory_space<hbm>>
      tpu.wait_dma2 semaphore(%run_scoped3A : memref<!tpu.dma_semaphore, #tpu.memory_space<semaphore_mem>>) src(%arg7 : memref<128xf32, #tpu.memory_space<vmem>>) dst(%dma_wait3A_323 : memref<128xf32, #tpu.memory_space<hbm>>)
      tpu.yield
    }) : () -> ()
    return
  }
}

</mosaic_0001>

<sc_bundles>
// kernel: _pool.3.cloned.1.call-start
scs
__scs_entry_jumppad:
0x0: {  	(pc) =	sbr.rel $0x88, $3  }
0x1: {  	(tag) =	ssettag $0x0;
	lr =	simm.s32 $0x1  }
0x2: {  	[smem:$0x3F9F] =	sst lr;
	_ =	strace $0xD0000000  }
0x3: {  	_ = 	snop  }
0x4: {  	_ = 	snop  }
0x5: {  	_ = 	snop  }
0x6: {  	_ = 	snop  }
0x7: {  	_ = 	snop  }
__scs_overlays_trampoline_lowered:
0x8: {  	[smem:$0x3FAE] =	sst s0  }
0x9: {  	[smem:$0x3FAF] =	sst s1  }
0xa: {  	[smem:$0x3FB0] =	sst s2  }
0xb: {  	[smem:$0x3FB1] =	sst s3  }
0xc: {  	[smem:$0x3FB2] =	sst s4  }
0xd: {  	[smem:$0x3FB3] =	sst s5  }
0xe: {  	[smem:$0x3FB4] =	sst s6  }
0xf: {  	[smem:$0x3FB5] =	sst s7  }
0x10: {  	[smem:$0x3FB6] =	sst s8  }
0x11: {  	[smem:$0x3FB7] =	sst s9;
	s0 =	simm.s32 @!p0 $0x0  }
0x12: {  	s1 =	sld [smem:$0x3F9D];
	s0 =	simm.s32 @p0 $0x1  }
0x13: {  	[smem:$0x3FB8] =	sst s0;
	s0 =	simm.s32 @!p1 $0x0  }
0x14: {  	s2 =	sld [smem:$0x3F9C];
	s0 =	simm.s32 @p1 $0x1  }
0x15: {  	[smem:$0x3FB9] =	sst s0;
	s0 =	simm.s32 @!p2 $0x0  }
0x16: {  	s3 =	sld [smem:$0x3FDB];
	s0 =	simm.s32 @p2 $0x1  }
0x17: {  	s4 =	simm.s32 $0x1BF5;
	[smem:$0x3FBB] =	sst s0  }
0x18: {  	s0 =	sld [smem:$0x3F9E];
	_ =	swait.ge [sflag:s4], $0x0  }
0x19: {  	s7 =	sld [smem:$0x3F9F]  }
0x1a: {  	s8 =	sadd.s32 $0xFFFFE003, lr  }
0x1b: {  	s9 =	sadd.s32 $0xFFFFFEF7, lr;
	s5 =	simm.s32 $0xFFFFFFFF;
	p2 =	slt.u32 s8, $0xFFFFF086  }
0x1c: {  	p1 =	slt.u32 s9, $0xF7A;
	s5 =	simm.s32 @!p2 $0x0  }
0x1d: {  	s5 =	simm.s32 @p1 $0x1;
	p0 =	seq.s32 s7, s2  }
0x1e: {  	s7 =	smul.u32 @!p0 $0xF7A, s2;
	p2 =	seq.s32 @!p0 s5, $0x0  }
0x1f: {  	s9 =	smul.u32 $0xF7A, s1;
	s8 =	simm.s32 @!p0 $0x1BF5;
	p2 =	por !p2, p0  }
0x20: {  	[sflag:s8] =	ssyncset.s32 @!p0 $0xFFFFF086;
	s6 =	sadd.s32 @!p0 s3, s7;
	s7 =	simm.s32 @!p0 $0x108  }
0x21: {  	s3 =	sadd.s32 s3, s9;
	s6 =	sadd.s32 @!p0 $0x88, s6;
	s7 =	simm.s32 @p2 $0x1082  }
0x22: {  	[simem:s7], [sflag:s8] =	dma.local @!p0 [hbm:s6], $0xF7A  }
0x23: {  	s9 =	sor.u32 $0xD0000000, s2;
	s6 =	simm.s32 $0x108;
	_ =	swait.ge @!p0 [sflag:s8], $0x0  }
0x24: {  	s3 =	sadd.s32 $0x88, s3;
	s6 =	simm.s32 @!p1 $0x1082;
	[sflag:s4] =	ssyncset.s32 $0xFFFFF086  }
0x25: {  	[simem:s6], [sflag:s4] =	dma.local [hbm:s3], $0xF7A  }
0x26: {  	[smem:$0x3F9F] =	sst s1;
	(tag) =	ssettag s2;
	_ =	strace s9  }
0x27: {  	s1 =	sld [smem:$0x3FAF]  }
0x28: {  	s2 =	sld [smem:$0x3FB0]  }
0x29: {  	s4 =	sld [smem:$0x3FB2]  }
0x2a: {  	p0 =	seq.s32 s5, $0x0;
	s5 =	sld [smem:$0x3FB3]  }
0x2b: {  	s6 =	sld [smem:$0x3FB4]  }
0x2c: {  	s7 =	sld [smem:$0x3FB5]  }
0x2d: {  	s3 =	simm.s32 $0x108;
	s8 =	sld [smem:$0x3FB6]  }
0x2e: {  	s3 =	simm.s32 @!p0 $0x1082;
	s9 =	sld [smem:$0x3FB7]  }
0x2f: {  	lr =	sadd.s32 s0, s3;
	s0 =	sld [smem:$0x3FAE]  }
0x30: {  	s3 =	sld [smem:$0x3FB1]  }
0x31: {  	[smem:$0x3FBA] =	sst s10  }
0x32: {  	s10 =	sld [smem:$0x3FB8];
	_ =	sdelay $0x3  }
0x33: {  	p0 =	seq.s32 s10, $0x1;
	s10 =	sld [smem:$0x3FBA];
	_ =	sdelay $0x3  }
0x34: {  	[smem:$0x3FBA] =	sst s10  }
0x35: {  	s10 =	sld [smem:$0x3FB9];
	_ =	sdelay $0x3  }
0x36: {  	p1 =	seq.s32 s10, $0x1;
	s10 =	sld [smem:$0x3FBA];
	_ =	sdelay $0x3  }
0x37: {  	[smem:$0x3FBA] =	sst s10  }
0x38: {  	s10 =	sld [smem:$0x3FBB]  }
0x39: {  	_ = 	snop;
	(pc) =	sbr.ind lr, $3  }
0x3a: {  	_ = 	snop  }
0x3b: {  	_ = 	snop  }
0x3c: {  	p2 =	seq.s32 s10, $0x1;
	s10 =	sld [smem:$0x3FBA]  }
0x3d: {  	_ =	shalt  }
0x3e: {  	_ =	shalt  }
0x3f: {  	_ =	shalt  }
0x40: {  	_ =	shalt  }
0x41: {  	_ =	shalt  }
0x42: {  	_ =	shalt  }
0x43: {  	_ =	shalt  }
0x44: {  	_ =	shalt  }
0x45: {  	_ =	shalt  }
0x46: {  	_ =	shalt  }
0x47: {  	_ =	shalt  }
0x48: {  	_ =	shalt  }
0x49: {  	_ =	shalt  }
0x4a: {  	_ =	shalt  }
0x4b: {  	_ =	shalt  }
0x4c: {  	_ =	shalt  }
0x4d: {  	_ =	shalt  }
0x4e: {  	_ =	shalt  }
0x4f: {  	_ =	shalt  }
0x50: {  	_ =	shalt  }
0x51: {  	_ =	shalt  }
0x52: {  	_ =	shalt  }
0x53: {  	_ =	shalt  }
0x54: {  	_ =	shalt  }
0x55: {  	_ =	shalt  }
0x56: {  	_ =	shalt  }
0x57: {  	_ =	shalt  }
0x58: {  	_ =	shalt  }
0x59: {  	_ =	shalt  }
0x5a: {  	_ =	shalt  }
0x5b: {  	_ =	shalt  }
0x5c: {  	_ =	shalt  }
0x5d: {  	_ =	shalt  }
0x5e: {  	_ =	shalt  }
0x5f: {  	_ =	shalt  }
0x60: {  	_ =	shalt  }
0x61: {  	_ =	shalt  }
0x62: {  	_ =	shalt  }
0x63: {  	_ =	shalt  }
0x64: {  	_ =	shalt  }
0x65: {  	_ =	shalt  }
0x66: {  	_ =	shalt  }
0x67: {  	_ =	shalt  }
0x68: {  	_ =	shalt  }
0x69: {  	_ =	shalt  }
0x6a: {  	_ =	shalt  }
0x6b: {  	_ =	shalt  }
0x6c: {  	_ =	shalt  }
0x6d: {  	_ =	shalt  }
0x6e: {  	_ =	shalt  }
0x6f: {  	_ =	shalt  }
0x70: {  	_ =	shalt  }
0x71: {  	_ =	shalt  }
0x72: {  	_ =	shalt  }
0x73: {  	_ =	shalt  }
0x74: {  	_ =	shalt  }
0x75: {  	_ =	shalt  }
0x76: {  	_ =	shalt  }
0x77: {  	_ =	shalt  }
0x78: {  	_ =	shalt  }
0x79: {  	_ =	shalt  }
0x7a: {  	_ =	shalt  }
0x7b: {  	_ =	shalt  }
0x7c: {  	_ =	shalt  }
0x7d: {  	_ =	shalt  }
0x7e: {  	_ =	shalt  }
0x7f: {  	_ =	shalt  }
0x80: {  	_ =	shalt  }
0x81: {  	_ =	shalt  }
0x82: {  	_ =	shalt  }
0x83: {  	_ =	shalt  }
0x84: {  	_ =	shalt  }
0x85: {  	_ =	shalt  }
0x86: {  	_ =	shalt  }
0x87: {  	_ =	shalt  }
.Lfunc_end0:
.L_simem_size_0:
called_computation_lowered:
.L_overlay_start_0:
0x88: {  	s2 =	sld [smem:$0x3FD9]  }
0x89: {  	s3 =	sld [smem:$0x3FFE];
	_ =	sdelay $0x1  }
0x8a: {  	s1 =	srdreg.scid  }
0x8b: {  	s0 =	sand.u32 $0x1, s1  }
0x8c: {  	s18 =	sshll.u32 s0, $0xA;
	s2 =	sadd.s32 s3, s2  }
0x8d: {  	s2 =	sadd.s32 s2, s18  }
0x8e: {  	[smem:$0x3FC6] =	sst s2  }
0x8f: {  	_ = 	snop  }
0x90: {  	s2 =	sld [smem:$0x3FC9]  }
0x91: {  	s19 =	sld [smem:$0x3FC8]  }
0x92: {  	s4 =	sld [smem:$0x3FD0];
	(tm) =	ssettm $0x1  }
0x93: {  	s5 =	sld [smem:$0x3FFB];
	_ =	sdelay $0x3  }
0x94: {  	_ =	strace s5  }
0x95: {  	s5 =	sld [smem:$0x3FFC];
	_ =	sdelay $0x3  }
0x96: {  	_ =	strace s5  }
0x97: {  	s5 =	sld [smem:$0x3FFD];
	_ =	sdelay $0x3  }
0x98: {  	_ =	strace s5  }
0x99: {  	_ =	strace $0x8FFFFFFF  }
0x9a: {  	s20 =	sld [smem:$0x3FDB];
	_ =	sdelay $0x1  }
0x9b: {  	s6 =	simm.s32 $_scs_section_size  }
0x9c: {  	s7 =	simm.s32 $_size__tile_overlayer_lowered;
	s8 =	simm.s32 $_tile_overlayer_lowered  }
0x9d: {  	s23 =	simm.s32 $0x1BFF;
	s22 =	sshll.u32 s8, $0x1;
	s5 =	sadd.s32 s6, s20  }
0x9e: {  	s9 =	simm.s32 $0x0;
	s21 =	sshll.u32 s7, $0x1;
	s7 =	sadd.s32 s22, s5  }
0x9f: {  	[timem:s9], [sflag:s23] =	dma.local [hbm:s7], s21  }
0xa0: {  	_ =	swait.ge [sflag:s23], s21  }
0xa1: {  	s6 =	ssub.s32 $0x0, s21;
	[sflag:s23] =	ssyncset.done $0x0  }
0xa2: {  	[sflag:s23] =	ssyncadd.s32 s6;
	_ =	sdelay $0x1  }
0xa3: {  	s24 =	simm.s32 $0x1B8B  }
0xa4: {  	_ =	swait.ge [sflag:s24], $0x1  }
0xa5: {  	[sflag:s24] =	ssyncset.done $0x0  }
0xa6: {  	s25 =	simm.s32 $0x1B8E;
	[sflag:s24] =	ssyncadd.s32 $0xFFFFFFFF  }
0xa7: {  	s26 =	simm.s32 $execute0_lowered;
	[smem:$0x3FD2] =	sst s25  }
0xa8: {  	s6 =	sshll.u32 s26, $0x1;
	_ =	strace $0x80000046;
	[dreg:$0x1] =	wrdreg $0xFFFFFFFF  }
0xa9: {  	s28 =	simm.s32 $_size_execute0_lowered;
	s5 =	sadd.s32 s5, s6;
	[dreg:$0x0] =	wrdreg $0x0  }
0xaa: {  	s6 =	sshll.u32 s28, $0x1;
	[dreg:$0x2] =	wrdreg s5  }
0xab: {  	[dreg:$0x3] =	wrdreg s6  }
0xac: {  	[dreg:$0x4] =	wrdreg $0xC0  }
0xad: {  	_ =	task [dreg:s9], $0x5FFFF  }
0xae: {  	[dreg:$0x1] =	wrdreg $0xFFFFFFFF  }
0xaf: {  	[dreg:$0x0] =	wrdreg $0x60  }
0xb0: {  	[dreg:$0x2] =	wrdreg s2  }
0xb1: {  	[dreg:$0x3] =	wrdreg s19  }
0xb2: {  	[dreg:$0x4] =	wrdreg s4  }
0xb3: {  	[dreg:$0x5] =	wrdreg $0x9  }
0xb4: {  	_ =	task.clear_ibuf [dreg:s9], $0x6FFFF;
	_ =	strace $0x90000046  }
0xb5: {  	s29 =	simm.s32 $0x9;
	_ =	strace $0x80000048  }
0xb6: {  	_ =	swait.ge [sflag:s29], $0x1  }
0xb7: {  	[sflag:s29] =	ssyncadd.s32 $0xFFFFFFFF  }
0xb8: {  	_ =	strace $0x90000048  }
0xb9: {  	_ =	sfence  }
0xba: {  	s30 =	sld [smem:$0x0];
	_ =	sdelay $0x2  }
0xbb: {  	s31 =	sshll.u32 s1, $0xD;
	s1 =	sshrl.u32 s1, $0x2  }
0xbc: {  	s3 =	sand.u32 $0x4000, s31;
	s1 =	sadd.s32 s1, s30  }
0xbd: {  	s0 =	sor.u32 s3, s0;
	s1 =	sshll.u32 s1, $0x11  }
0xbe: {  	s0 =	sor.u32 s1, s0  }
0xbf: {  	s0 =	sadd.s32 $0x8F2B, s0  }
0xc0: {  	[sflag:s0] =	ssyncadd.remote.s32 $0x1  }
0xc1: {  	_ =	sfence.sel $0xFFFF  }
0xc2: {  	[dreg:$0x0] =	wrdreg $0xFFFFFFFF;
	(pc) =	sbr.abs _section_cstart, $3  }
0xc3: {  	[dreg:$0x1] =	wrdreg $0xFFFFFFFF  }
0xc4: {  	_ =	task.clear_ibuf [dreg:s9], $0x2FFFF;
	_ =	strace $0x9FFFFFFF  }
0xc5: {  	(tm) =	ssettm $0x7FFFFFFF  }
tec
execute0_lowered:
.L_overlay_start_1:
0x0: {  	(tag) =	ssettag $0x1  }
0x1: {  	s1 =	rddreg [dreg:$0x0]  }
0x2: {  	s4 =	rddreg [dreg:$0x1];
	s2 =	srdreg.scid  }
0x3: {  	s0 =	stileid.u32;
	s5 =	rddreg [dreg:$0x2];
	s3 =	simm.s32 $0x0  }
0x4: {  	s10 =	simm.s32 $0x0;
	s6 =	sand.u32 $0x1, s2;
	s7 =	sshll.u32 s0, $0x1  }
0x5: {  	v0 =	vlaneseq.u32;
	[smem:$0x7FF] =	sst s3;
	s7 =	sor.u32 s6, s7;
	s6 =	ssub.s32 $0x2, s6  }
0x6: {  	s2 =	rddreg [dreg:$0x3];
	v0 =	vmul.u32 $0xC8, v0;
	_ =	strace $0x80000047;
	s9 =	sshrl.u32 s6, $0x1  }
0x7: {  	s8 =	smul.u32 $0xC80, s7;
	s7 =	sshll.u32 s7, $0x4;
	s6 =	ssub.s32 s6, s9  }
0x8: {  	v1 =	vadd.s32 $0xC80, v0;
	v2 =	vadd.s32 $0x1900, v0;
	s5 =	sadd.s32 s5, s7;
	s7 =	simm.s32 $0x18700;
	s9 =	simm.s32 $0x1EB00  }
0x9: {  	v3 =	vadd.s32 $0x2580, v0;
	v4 =	vadd.s32 $0x3200, v0;
	v5 =	vadd.s32 $0x3E80, v0;
	s4 =	sadd.s32 s4, s8;
	s6 =	smax.u32 s6, $0x1;
	s8 =	simm.s32 $0x1  }
.LBB2_1:
0xa: {  	[tilespmem:s7], [sflag:$0x1] =	stream.linear.gather [hbm4b:s4+s3], $0x6400, $0x38;
	[tilespmem:$0x1EB80] =	vst v63  }
0xb: {  	_ =	swait.ge [sflag:s8], $0x6400  }
0xc: {  	[sflag:s8] =	ssyncset.done $0x0  }
0xd: {  	[sflag:s8] =	ssyncadd.s32 $0xFFFF9C00  }
0xe: {  	v6 =	vor.u32 $0x7, v0;
	[tilespmem:s3], [sflag:$0x1] =	stream.linear.gather [hbm4b:s1+s3], $0x18700, $0x38;
	[tilespmem:$0x1EB80] =	vst v63  }
0xf: {  	v7 =	vor.u32 $0x1, v0;
	_ =	swait.ge [sflag:s8], $0x18700  }
0x10: {  	v8 =	vor.u32 $0x2, v0;
	[sflag:s8] =	ssyncset.done $0x0  }
0x11: {  	v9 =	vor.u32 $0x3, v0;
	[sflag:s8] =	ssyncadd.s32 $0xFFFE7900  }
0x12: {  	v10 =	vor.u32 $0x4, v0;
	v11 =	vld.idx.msk [tilespmem:v0+s7+$0x0], $0xffff  }
0x13: {  	v12 =	vor.u32 $0x5, v0;
	v13 =	vld.idx.msk [tilespmem:v6+s7+$0x0], $0xffff  }
0x14: {  	v6 =	vor.u32 $0x6, v0;
	v7 =	vld.idx.msk [tilespmem:v7+s7+$0x0], $0xffff  }
0x15: {  	v18 =	vld.idx.msk [tilespmem:v8+s7+$0x0], $0xffff  }
0x16: {  	v19 =	vld.idx.msk [tilespmem:v9+s7+$0x0], $0xffff  }
0x17: {  	v23 =	vld.idx.msk [tilespmem:v10+s7+$0x0], $0xffff  }
0x18: {  	v21 =	vld.idx.msk [tilespmem:v12+s7+$0x0], $0xffff  }
0x19: {  	v20 =	vld.idx.msk [tilespmem:v6+s7+$0x0], $0xffff  }
0x1a: {  	v14 =	vadd.s32 $0x8, v0;
	v16 =	vld.idx.msk [tilespmem:v11+s3+$0x0], $0xffff  }
0x1b: {  	v24 =	vor.u32 $0x1, v14;
	v22 =	vor.u32 $0x2, v14;
	v17 =	vld.idx.msk [tilespmem:v13+s3+$0x0], $0xffff  }
0x1c: {  	v25 =	vor.u32 $0x7, v14;
	v8 =	vimm.f32 $0.0e+00;
	v9 =	vimm.f32 $0.0e+00;
	v15 =	vld.idx.msk [tilespmem:v7+s3+$0x0], $0xffff  }
0x1d: {  	v10 =	vimm.f32 $0.0e+00;
	v12 =	vimm.f32 $0.0e+00;
	v6 =	vimm.f32 $0.0e+00;
	v18 =	vld.idx.msk [tilespmem:v18+s3+$0x0], $0xffff  }
0x1e: {  	s11 =	simm.s32 $0x17;
	v7 =	vimm.f32 $0.0e+00;
	v19 =	vld.idx.msk [tilespmem:v19+s3+$0x0], $0xffff;
	v13 =	vimm.f32 $0.0e+00;
	v11 =	vimm.f32 $0.0e+00  }
.LBB2_2:
0x1f: {  	p0 =	sne.s32 s11, $0x1;
	v26 =	vor.u32 $0x3, v14;
	v27 =	vor.u32 $0x4, v14;
	v28 =	vor.u32 $0x5, v14;
	v23 =	vld.idx.msk [tilespmem:v23+s3+$0x0], $0xffff  }
0x20: {  	v29 =	vor.u32 $0x6, v14;
	v6 =	vadd.f32 v16, v6;
	v16 =	vld.idx.msk [tilespmem:v21+s3+$0x0], $0xffff  }
0x21: {  	v8 =	vadd.f32 v17, v8;
	v20 =	vld.idx.msk [tilespmem:v20+s3+$0x0], $0xffff  }
0x22: {  	v9 =	vadd.f32 v15, v9;
	v17 =	vld.idx.msk [tilespmem:v14+s7+$0x0], $0xffff  }
0x23: {  	v10 =	vadd.f32 v18, v10;
	v15 =	vld.idx.msk [tilespmem:v25+s7+$0x0], $0xffff  }
0x24: {  	v7 =	vadd.f32 v19, v7;
	v18 =	vld.idx.msk [tilespmem:v24+s7+$0x0], $0xffff  }
0x25: {  	v13 =	vadd.f32 v23, v13;
	v19 =	vld.idx.msk [tilespmem:v22+s7+$0x0], $0xffff  }
0x26: {  	v11 =	vadd.f32 v16, v11;
	v26 =	vld.idx.msk [tilespmem:v26+s7+$0x0], $0xffff  }
0x27: {  	v12 =	vadd.f32 v20, v12;
	v23 =	vld.idx.msk [tilespmem:v27+s7+$0x0], $0xffff  }
0x28: {  	v21 =	vld.idx.msk [tilespmem:v28+s7+$0x0], $0xffff  }
0x29: {  	v20 =	vld.idx.msk [tilespmem:v29+s7+$0x0], $0xffff  }
.Ltmp0:
0x2a: {  	v16 =	vld.idx.msk [tilespmem:v17+s3+$0x0], $0xffff;
	(pc) =	sbr.rel @p0 .LBB2_2-.Ltmp0, $4  }
0x2b: {  	v17 =	vld.idx.msk [tilespmem:v15+s3+$0x0], $0xffff  }
0x2c: {  	v15 =	vld.idx.msk [tilespmem:v18+s3+$0x0], $0xffff  }
0x2d: {  	v14 =	vadd.s32 $0x8, v14;
	v18 =	vld.idx.msk [tilespmem:v19+s3+$0x0], $0xffff  }
0x2e: {  	s11 =	sadd.s32 $0xFFFFFFFF, s11;
	v25 =	vor.u32 $0x7, v14;
	v24 =	vor.u32 $0x1, v14;
	v22 =	vor.u32 $0x2, v14;
	v19 =	vld.idx.msk [tilespmem:v26+s3+$0x0], $0xffff  }
0x2f: {  	_ =	sdelay $0x3  }
0x30: {  	v23 =	vld.idx.msk [tilespmem:v23+s3+$0x0], $0xffff  }
0x31: {  	v21 =	vld.idx.msk [tilespmem:v21+s3+$0x0], $0xffff  }
0x32: {  	v26 =	vor.u32 $0x3, v14;
	v20 =	vld.idx.msk [tilespmem:v20+s3+$0x0], $0xffff  }
0x33: {  	v27 =	vor.u32 $0x4, v14;
	v29 =	vld.idx.msk [tilespmem:v14+s7+$0x0], $0xffff  }
0x34: {  	v28 =	vor.u32 $0x5, v14;
	v24 =	vld.idx.msk [tilespmem:v24+s7+$0x0], $0xffff  }
0x35: {  	v14 =	vor.u32 $0x6, v14;
	v22 =	vld.idx.msk [tilespmem:v22+s7+$0x0], $0xffff  }
0x36: {  	v25 =	vld.idx.msk [tilespmem:v25+s7+$0x0], $0xffff  }
0x37: {  	v26 =	vld.idx.msk [tilespmem:v26+s7+$0x0], $0xffff  }
0x38: {  	v27 =	vld.idx.msk [tilespmem:v27+s7+$0x0], $0xffff  }
0x39: {  	v28 =	vld.idx.msk [tilespmem:v28+s7+$0x0], $0xffff  }
0x3a: {  	v14 =	vld.idx.msk [tilespmem:v14+s7+$0x0], $0xffff  }
0x3b: {  	v29 =	vld.idx.msk [tilespmem:v29+s3+$0x0], $0xffff  }
0x3c: {  	v24 =	vld.idx.msk [tilespmem:v24+s3+$0x0], $0xffff  }
0x3d: {  	v22 =	vld.idx.msk [tilespmem:v22+s3+$0x0], $0xffff  }
0x3e: {  	v8 =	vadd.f32 v17, v8;
	v17 =	vld.idx.msk [tilespmem:v25+s3+$0x0], $0xffff  }
0x3f: {  	v6 =	vadd.f32 v16, v6;
	v26 =	vld.idx.msk [tilespmem:v26+s3+$0x0], $0xffff  }
0x40: {  	v9 =	vadd.f32 v15, v9;
	v10 =	vadd.f32 v18, v10;
	v16 =	vld.idx.msk [tilespmem:v27+s3+$0x0], $0xffff  }
0x41: {  	v7 =	vadd.f32 v19, v7;
	v13 =	vadd.f32 v23, v13;
	v15 =	vld.idx.msk [tilespmem:v28+s3+$0x0], $0xffff  }
0x42: {  	v11 =	vadd.f32 v21, v11;
	v12 =	vadd.f32 v20, v12;
	v14 =	vld.idx.msk [tilespmem:v14+s3+$0x0], $0xffff  }
0x43: {  	v6 =	vadd.f32 v29, v6;
	v9 =	vadd.f32 v24, v9  }
0x44: {  	v10 =	vadd.f32 v22, v10;
	v7 =	vadd.f32 v26, v7  }
0x45: {  	v6 =	vadd.f32 v9, v6;
	v13 =	vadd.f32 v16, v13  }
0x46: {  	v11 =	vadd.f32 v15, v11;
	v7 =	vadd.f32 v7, v10  }
0x47: {  	v8 =	vadd.f32 v17, v8;
	v9 =	vadd.f32 v14, v12  }
0x48: {  	v6 =	vadd.f32 v7, v6;
	v7 =	vadd.f32 v11, v13;
	_ =	sdelay $0x1  }
0x49: {  	v6 =	vadd.f32 v7, v6;
	v7 =	vadd.f32 v8, v9;
	_ =	sdelay $0x1  }
0x4a: {  	v6 =	vadd.f32 v7, v6  }
0x4b: {  	v7 =	vor.u32 $0x7, v1  }
0x4c: {  	v8 =	vor.u32 $0x1, v1;
	v6 =	vmul.f32 $4.999999890e-03, v6  }
0x4d: {  	v9 =	vor.u32 $0x2, v1  }
0x4e: {  	[tilespmem:$0x1EB00] =	vst v6;
	v6 =	vor.u32 $0x3, v1  }
0x4f: {  	v10 =	vor.u32 $0x4, v1;
	v11 =	vld.idx.msk [tilespmem:v1+s7+$0x0], $0xffff  }
0x50: {  	v12 =	vor.u32 $0x5, v1;
	v7 =	vld.idx.msk [tilespmem:v7+s7+$0x0], $0xffff  }
0x51: {  	v13 =	vor.u32 $0x6, v1;
	v8 =	vld.idx.msk [tilespmem:v8+s7+$0x0], $0xffff  }
0x52: {  	v9 =	vld.idx.msk [tilespmem:v9+s7+$0x0], $0xffff  }
0x53: {  	v19 =	vld.idx.msk [tilespmem:v6+s7+$0x0], $0xffff  }
0x54: {  	v23 =	vld.idx.msk [tilespmem:v10+s7+$0x0], $0xffff  }
0x55: {  	v21 =	vld.idx.msk [tilespmem:v12+s7+$0x0], $0xffff  }
0x56: {  	v20 =	vld.idx.msk [tilespmem:v13+s7+$0x0], $0xffff  }
0x57: {  	v14 =	vadd.s32 $0x8, v1;
	v16 =	vld.idx.msk [tilespmem:v11+s3+$0x0], $0xffff  }
0x58: {  	v24 =	vor.u32 $0x1, v14;
	v22 =	vor.u32 $0x2, v14;
	v17 =	vld.idx.msk [tilespmem:v7+s3+$0x0], $0xffff  }
0x59: {  	v25 =	vor.u32 $0x7, v14;
	v10 =	vimm.f32 $0.0e+00;
	v13 =	vimm.f32 $0.0e+00;
	v15 =	vld.idx.msk [tilespmem:v8+s3+$0x0], $0xffff  }
0x5a: {  	v12 =	vimm.f32 $0.0e+00;
	v6 =	vimm.f32 $0.0e+00;
	v8 =	vimm.f32 $0.0e+00;
	v18 =	vld.idx.msk [tilespmem:v9+s3+$0x0], $0xffff  }
0x5b: {  	s11 =	simm.s32 $0x17;
	v9 =	vimm.f32 $0.0e+00;
	v7 =	vimm.f32 $0.0e+00;
	v11 =	vimm.f32 $0.0e+00;
	v19 =	vld.idx.msk [tilespmem:v19+s3+$0x0], $0xffff  }
.LBB2_4:
0x5c: {  	p0 =	sne.s32 s11, $0x1;
	v26 =	vor.u32 $0x3, v14;
	v27 =	vor.u32 $0x4, v14;
	v28 =	vor.u32 $0x5, v14;
	v23 =	vld.idx.msk [tilespmem:v23+s3+$0x0], $0xffff  }
0x5d: {  	v29 =	vor.u32 $0x6, v14;
	v6 =	vadd.f32 v16, v6;
	v16 =	vld.idx.msk [tilespmem:v21+s3+$0x0], $0xffff  }
0x5e: {  	v8 =	vadd.f32 v17, v8;
	v20 =	vld.idx.msk [tilespmem:v20+s3+$0x0], $0xffff  }
0x5f: {  	v9 =	vadd.f32 v15, v9;
	v17 =	vld.idx.msk [tilespmem:v14+s7+$0x0], $0xffff  }
0x60: {  	v10 =	vadd.f32 v18, v10;
	v15 =	vld.idx.msk [tilespmem:v25+s7+$0x0], $0xffff  }
0x61: {  	v7 =	vadd.f32 v19, v7;
	v18 =	vld.idx.msk [tilespmem:v24+s7+$0x0], $0xffff  }
0x62: {  	v13 =	vadd.f32 v23, v13;
	v19 =	vld.idx.msk [tilespmem:v22+s7+$0x0], $0xffff  }
0x63: {  	v11 =	vadd.f32 v16, v11;
	v26 =	vld.idx.msk [tilespmem:v26+s7+$0x0], $0xffff  }
0x64: {  	v12 =	vadd.f32 v20, v12;
	v23 =	vld.idx.msk [tilespmem:v27+s7+$0x0], $0xffff  }
0x65: {  	v21 =	vld.idx.msk [tilespmem:v28+s7+$0x0], $0xffff  }
0x66: {  	v20 =	vld.idx.msk [tilespmem:v29+s7+$0x0], $0xffff  }
.Ltmp1:
0x67: {  	v16 =	vld.idx.msk [tilespmem:v17+s3+$0x0], $0xffff;
	(pc) =	sbr.rel @p0 .LBB2_4-.Ltmp1, $4  }
0x68: {  	v17 =	vld.idx.msk [tilespmem:v15+s3+$0x0], $0xffff  }
0x69: {  	v15 =	vld.idx.msk [tilespmem:v18+s3+$0x0], $0xffff  }
0x6a: {  	v14 =	vadd.s32 $0x8, v14;
	v18 =	vld.idx.msk [tilespmem:v19+s3+$0x0], $0xffff  }
0x6b: {  	s11 =	sadd.s32 $0xFFFFFFFF, s11;
	v25 =	vor.u32 $0x7, v14;
	v24 =	vor.u32 $0x1, v14;
	v22 =	vor.u32 $0x2, v14;
	v19 =	vld.idx.msk [tilespmem:v26+s3+$0x0], $0xffff  }
0x6c: {  	_ =	sdelay $0x3  }
0x6d: {  	v23 =	vld.idx.msk [tilespmem:v23+s3+$0x0], $0xffff  }
0x6e: {  	v21 =	vld.idx.msk [tilespmem:v21+s3+$0x0], $0xffff  }
0x6f: {  	v26 =	vor.u32 $0x3, v14;
	v20 =	vld.idx.msk [tilespmem:v20+s3+$0x0], $0xffff  }
0x70: {  	v27 =	vor.u32 $0x4, v14;
	v29 =	vld.idx.msk [tilespmem:v14+s7+$0x0], $0xffff  }
0x71: {  	v28 =	vor.u32 $0x5, v14;
	v24 =	vld.idx.msk [tilespmem:v24+s7+$0x0], $0xffff  }
0x72: {  	v14 =	vor.u32 $0x6, v14;
	v22 =	vld.idx.msk [tilespmem:v22+s7+$0x0], $0xffff  }
0x73: {  	v25 =	vld.idx.msk [tilespmem:v25+s7+$0x0], $0xffff  }
0x74: {  	v26 =	vld.idx.msk [tilespmem:v26+s7+$0x0], $0xffff  }
0x75: {  	v27 =	vld.idx.msk [tilespmem:v27+s7+$0x0], $0xffff  }
0x76: {  	v28 =	vld.idx.msk [tilespmem:v28+s7+$0x0], $0xffff  }
0x77: {  	v14 =	vld.idx.msk [tilespmem:v14+s7+$0x0], $0xffff  }
0x78: {  	v29 =	vld.idx.msk [tilespmem:v29+s3+$0x0], $0xffff  }
0x79: {  	v24 =	vld.idx.msk [tilespmem:v24+s3+$0x0], $0xffff  }
0x7a: {  	v22 =	vld.idx.msk [tilespmem:v22+s3+$0x0], $0xffff  }
0x7b: {  	v8 =	vadd.f32 v17, v8;
	v17 =	vld.idx.msk [tilespmem:v25+s3+$0x0], $0xffff  }
0x7c: {  	v6 =	vadd.f32 v16, v6;
	v26 =	vld.idx.msk [tilespmem:v26+s3+$0x0], $0xffff  }
0x7d: {  	v9 =	vadd.f32 v15, v9;
	v10 =	vadd.f32 v18, v10;
	v16 =	vld.idx.msk [tilespmem:v27+s3+$0x0], $0xffff  }
0x7e: {  	v7 =	vadd.f32 v19, v7;
	v13 =	vadd.f32 v23, v13;
	v15 =	vld.idx.msk [tilespmem:v28+s3+$0x0], $0xffff  }
0x7f: {  	v11 =	vadd.f32 v21, v11;
	v12 =	vadd.f32 v20, v12;
	v14 =	vld.idx.msk [tilespmem:v14+s3+$0x0], $0xffff  }
0x80: {  	v6 =	vadd.f32 v29, v6;
	v9 =	vadd.f32 v24, v9  }
0x81: {  	v10 =	vadd.f32 v22, v10;
	v7 =	vadd.f32 v26, v7  }
0x82: {  	v6 =	vadd.f32 v9, v6;
	v13 =	vadd.f32 v16, v13  }
0x83: {  	v11 =	vadd.f32 v15, v11;
	v7 =	vadd.f32 v7, v10  }
0x84: {  	v8 =	vadd.f32 v17, v8;
	v9 =	vadd.f32 v14, v12  }
0x85: {  	v6 =	vadd.f32 v7, v6;
	v7 =	vadd.f32 v11, v13;
	_ =	sdelay $0x1  }
0x86: {  	v6 =	vadd.f32 v7, v6;
	v7 =	vadd.f32 v8, v9;
	_ =	sdelay $0x1  }
0x87: {  	v6 =	vadd.f32 v7, v6  }
0x88: {  	v7 =	vor.u32 $0x7, v2  }
0x89: {  	v8 =	vor.u32 $0x1, v2;
	v6 =	vmul.f32 $4.999999890e-03, v6  }
0x8a: {  	v9 =	vor.u32 $0x2, v2  }
0x8b: {  	[tilespmem:$0x1EB10] =	vst v6;
	v6 =	vor.u32 $0x3, v2  }
0x8c: {  	v10 =	vor.u32 $0x4, v2;
	v11 =	vld.idx.msk [tilespmem:v2+s7+$0x0], $0xffff  }
0x8d: {  	v12 =	vor.u32 $0x5, v2;
	v7 =	vld.idx.msk [tilespmem:v7+s7+$0x0], $0xffff  }
0x8e: {  	v13 =	vor.u32 $0x6, v2;
	v8 =	vld.idx.msk [tilespmem:v8+s7+$0x0], $0xffff  }
0x8f: {  	v9 =	vld.idx.msk [tilespmem:v9+s7+$0x0], $0xffff  }
0x90: {  	v19 =	vld.idx.msk [tilespmem:v6+s7+$0x0], $0xffff  }
0x91: {  	v23 =	vld.idx.msk [tilespmem:v10+s7+$0x0], $0xffff  }
0x92: {  	v21 =	vld.idx.msk [tilespmem:v12+s7+$0x0], $0xffff  }
0x93: {  	v20 =	vld.idx.msk [tilespmem:v13+s7+$0x0], $0xffff  }
0x94: {  	v14 =	vadd.s32 $0x8, v2;
	v16 =	vld.idx.msk [tilespmem:v11+s3+$0x0], $0xffff  }
0x95: {  	v24 =	vor.u32 $0x1, v14;
	v22 =	vor.u32 $0x2, v14;
	v17 =	vld.idx.msk [tilespmem:v7+s3+$0x0], $0xffff  }
0x96: {  	v25 =	vor.u32 $0x7, v14;
	v10 =	vimm.f32 $0.0e+00;
	v13 =	vimm.f32 $0.0e+00;
	v15 =	vld.idx.msk [tilespmem:v8+s3+$0x0], $0xffff  }
0x97: {  	v12 =	vimm.f32 $0.0e+00;
	v6 =	vimm.f32 $0.0e+00;
	v8 =	vimm.f32 $0.0e+00;
	v18 =	vld.idx.msk [tilespmem:v9+s3+$0x0], $0xffff  }
0x98: {  	s11 =	simm.s32 $0x17;
	v9 =	vimm.f32 $0.0e+00;
	v7 =	vimm.f32 $0.0e+00;
	v11 =	vimm.f32 $0.0e+00;
	v19 =	vld.idx.msk [tilespmem:v19+s3+$0x0], $0xffff  }
.LBB2_6:
0x99: {  	p0 =	sne.s32 s11, $0x1;
	v26 =	vor.u32 $0x3, v14;
	v27 =	vor.u32 $0x4, v14;
	v28 =	vor.u32 $0x5, v14;
	v23 =	vld.idx.msk [tilespmem:v23+s3+$0x0], $0xffff  }
0x9a: {  	v29 =	vor.u32 $0x6, v14;
	v6 =	vadd.f32 v16, v6;
	v16 =	vld.idx.msk [tilespmem:v21+s3+$0x0], $0xffff  }
0x9b: {  	v8 =	vadd.f32 v17, v8;
	v20 =	vld.idx.msk [tilespmem:v20+s3+$0x0], $0xffff  }
0x9c: {  	v9 =	vadd.f32 v15, v9;
	v17 =	vld.idx.msk [tilespmem:v14+s7+$0x0], $0xffff  }
0x9d: {  	v10 =	vadd.f32 v18, v10;
	v15 =	vld.idx.msk [tilespmem:v25+s7+$0x0], $0xffff  }
0x9e: {  	v7 =	vadd.f32 v19, v7;
	v18 =	vld.idx.msk [tilespmem:v24+s7+$0x0], $0xffff  }
0x9f: {  	v13 =	vadd.f32 v23, v13;
	v19 =	vld.idx.msk [tilespmem:v22+s7+$0x0], $0xffff  }
0xa0: {  	v11 =	vadd.f32 v16, v11;
	v26 =	vld.idx.msk [tilespmem:v26+s7+$0x0], $0xffff  }
0xa1: {  	v12 =	vadd.f32 v20, v12;
	v23 =	vld.idx.msk [tilespmem:v27+s7+$0x0], $0xffff  }
0xa2: {  	v21 =	vld.idx.msk [tilespmem:v28+s7+$0x0], $0xffff  }
0xa3: {  	v20 =	vld.idx.msk [tilespmem:v29+s7+$0x0], $0xffff  }
.Ltmp2:
0xa4: {  	v16 =	vld.idx.msk [tilespmem:v17+s3+$0x0], $0xffff;
	(pc) =	sbr.rel @p0 .LBB2_6-.Ltmp2, $4  }
0xa5: {  	v17 =	vld.idx.msk [tilespmem:v15+s3+$0x0], $0xffff  }
0xa6: {  	v15 =	vld.idx.msk [tilespmem:v18+s3+$0x0], $0xffff  }
0xa7: {  	v14 =	vadd.s32 $0x8, v14;
	v18 =	vld.idx.msk [tilespmem:v19+s3+$0x0], $0xffff  }
0xa8: {  	s11 =	sadd.s32 $0xFFFFFFFF, s11;
	v25 =	vor.u32 $0x7, v14;
	v24 =	vor.u32 $0x1, v14;
	v22 =	vor.u32 $0x2, v14;
	v19 =	vld.idx.msk [tilespmem:v26+s3+$0x0], $0xffff  }
0xa9: {  	_ =	sdelay $0x3  }
0xaa: {  	v23 =	vld.idx.msk [tilespmem:v23+s3+$0x0], $0xffff  }
0xab: {  	v21 =	vld.idx.msk [tilespmem:v21+s3+$0x0], $0xffff  }
0xac: {  	v26 =	vor.u32 $0x3, v14;
	v20 =	vld.idx.msk [tilespmem:v20+s3+$0x0], $0xffff  }
0xad: {  	v27 =	vor.u32 $0x4, v14;
	v29 =	vld.idx.msk [tilespmem:v14+s7+$0x0], $0xffff  }
0xae: {  	v28 =	vor.u32 $0x5, v14;
	v24 =	vld.idx.msk [tilespmem:v24+s7+$0x0], $0xffff  }
0xaf: {  	v14 =	vor.u32 $0x6, v14;
	v22 =	vld.idx.msk [tilespmem:v22+s7+$0x0], $0xffff  }
0xb0: {  	v25 =	vld.idx.msk [tilespmem:v25+s7+$0x0], $0xffff  }
0xb1: {  	v26 =	vld.idx.msk [tilespmem:v26+s7+$0x0], $0xffff  }
0xb2: {  	v27 =	vld.idx.msk [tilespmem:v27+s7+$0x0], $0xffff  }
0xb3: {  	v28 =	vld.idx.msk [tilespmem:v28+s7+$0x0], $0xffff  }
0xb4: {  	v14 =	vld.idx.msk [tilespmem:v14+s7+$0x0], $0xffff  }
0xb5: {  	v29 =	vld.idx.msk [tilespmem:v29+s3+$0x0], $0xffff  }
0xb6: {  	v24 =	vld.idx.msk [tilespmem:v24+s3+$0x0], $0xffff  }
0xb7: {  	v22 =	vld.idx.msk [tilespmem:v22+s3+$0x0], $0xffff  }
0xb8: {  	v8 =	vadd.f32 v17, v8;
	v17 =	vld.idx.msk [tilespmem:v25+s3+$0x0], $0xffff  }
0xb9: {  	v6 =	vadd.f32 v16, v6;
	v26 =	vld.idx.msk [tilespmem:v26+s3+$0x0], $0xffff  }
0xba: {  	v9 =	vadd.f32 v15, v9;
	v10 =	vadd.f32 v18, v10;
	v16 =	vld.idx.msk [tilespmem:v27+s3+$0x0], $0xffff  }
0xbb: {  	v7 =	vadd.f32 v19, v7;
	v13 =	vadd.f32 v23, v13;
	v15 =	vld.idx.msk [tilespmem:v28+s3+$0x0], $0xffff  }
0xbc: {  	v11 =	vadd.f32 v21, v11;
	v12 =	vadd.f32 v20, v12;
	v14 =	vld.idx.msk [tilespmem:v14+s3+$0x0], $0xffff  }
0xbd: {  	v6 =	vadd.f32 v29, v6;
	v9 =	vadd.f32 v24, v9  }
0xbe: {  	v10 =	vadd.f32 v22, v10;
	v7 =	vadd.f32 v26, v7  }
0xbf: {  	v6 =	vadd.f32 v9, v6;
	v13 =	vadd.f32 v16, v13  }
0xc0: {  	v11 =	vadd.f32 v15, v11;
	v7 =	vadd.f32 v7, v10  }
0xc1: {  	v8 =	vadd.f32 v17, v8;
	v9 =	vadd.f32 v14, v12  }
0xc2: {  	v6 =	vadd.f32 v7, v6;
	v7 =	vadd.f32 v11, v13;
	_ =	sdelay $0x1  }
0xc3: {  	v6 =	vadd.f32 v7, v6;
	v7 =	vadd.f32 v8, v9;
	_ =	sdelay $0x1  }
0xc4: {  	v6 =	vadd.f32 v7, v6  }
0xc5: {  	v7 =	vor.u32 $0x7, v3  }
0xc6: {  	v8 =	vor.u32 $0x1, v3;
	v6 =	vmul.f32 $4.999999890e-03, v6  }
0xc7: {  	v9 =	vor.u32 $0x2, v3  }
0xc8: {  	[tilespmem:$0x1EB20] =	vst v6;
	v6 =	vor.u32 $0x3, v3  }
0xc9: {  	v10 =	vor.u32 $0x4, v3;
	v11 =	vld.idx.msk [tilespmem:v3+s7+$0x0], $0xffff  }
0xca: {  	v12 =	vor.u32 $0x5, v3;
	v7 =	vld.idx.msk [tilespmem:v7+s7+$0x0], $0xffff  }
0xcb: {  	v13 =	vor.u32 $0x6, v3;
	v8 =	vld.idx.msk [tilespmem:v8+s7+$0x0], $0xffff  }
0xcc: {  	v9 =	vld.idx.msk [tilespmem:v9+s7+$0x0], $0xffff  }
0xcd: {  	v19 =	vld.idx.msk [tilespmem:v6+s7+$0x0], $0xffff  }
0xce: {  	v23 =	vld.idx.msk [tilespmem:v10+s7+$0x0], $0xffff  }
0xcf: {  	v21 =	vld.idx.msk [tilespmem:v12+s7+$0x0], $0xffff  }
0xd0: {  	v20 =	vld.idx.msk [tilespmem:v13+s7+$0x0], $0xffff  }
0xd1: {  	v14 =	vadd.s32 $0x8, v3;
	v16 =	vld.idx.msk [tilespmem:v11+s3+$0x0], $0xffff  }
0xd2: {  	v24 =	vor.u32 $0x1, v14;
	v22 =	vor.u32 $0x2, v14;
	v17 =	vld.idx.msk [tilespmem:v7+s3+$0x0], $0xffff  }
0xd3: {  	v25 =	vor.u32 $0x7, v14;
	v10 =	vimm.f32 $0.0e+00;
	v13 =	vimm.f32 $0.0e+00;
	v15 =	vld.idx.msk [tilespmem:v8+s3+$0x0], $0xffff  }
0xd4: {  	v12 =	vimm.f32 $0.0e+00;
	v6 =	vimm.f32 $0.0e+00;
	v8 =	vimm.f32 $0.0e+00;
	v18 =	vld.idx.msk [tilespmem:v9+s3+$0x0], $0xffff  }
0xd5: {  	s11 =	simm.s32 $0x17;
	v9 =	vimm.f32 $0.0e+00;
	v7 =	vimm.f32 $0.0e+00;
	v11 =	vimm.f32 $0.0e+00;
	v19 =	vld.idx.msk [tilespmem:v19+s3+$0x0], $0xffff  }
.LBB2_8:
0xd6: {  	p0 =	sne.s32 s11, $0x1;
	v26 =	vor.u32 $0x3, v14;
	v27 =	vor.u32 $0x4, v14;
	v28 =	vor.u32 $0x5, v14;
	v23 =	vld.idx.msk [tilespmem:v23+s3+$0x0], $0xffff  }
0xd7: {  	v29 =	vor.u32 $0x6, v14;
	v6 =	vadd.f32 v16, v6;
	v16 =	vld.idx.msk [tilespmem:v21+s3+$0x0], $0xffff  }
0xd8: {  	v8 =	vadd.f32 v17, v8;
	v20 =	vld.idx.msk [tilespmem:v20+s3+$0x0], $0xffff  }
0xd9: {  	v9 =	vadd.f32 v15, v9;
	v17 =	vld.idx.msk [tilespmem:v14+s7+$0x0], $0xffff  }
0xda: {  	v10 =	vadd.f32 v18, v10;
	v15 =	vld.idx.msk [tilespmem:v25+s7+$0x0], $0xffff  }
0xdb: {  	v7 =	vadd.f32 v19, v7;
	v18 =	vld.idx.msk [tilespmem:v24+s7+$0x0], $0xffff  }
0xdc: {  	v13 =	vadd.f32 v23, v13;
	v19 =	vld.idx.msk [tilespmem:v22+s7+$0x0], $0xffff  }
0xdd: {  	v11 =	vadd.f32 v16, v11;
	v26 =	vld.idx.msk [tilespmem:v26+s7+$0x0], $0xffff  }
0xde: {  	v12 =	vadd.f32 v20, v12;
	v23 =	vld.idx.msk [tilespmem:v27+s7+$0x0], $0xffff  }
0xdf: {  	v21 =	vld.idx.msk [tilespmem:v28+s7+$0x0], $0xffff  }
0xe0: {  	v20 =	vld.idx.msk [tilespmem:v29+s7+$0x0], $0xffff  }
.Ltmp3:
0xe1: {  	v16 =	vld.idx.msk [tilespmem:v17+s3+$0x0], $0xffff;
	(pc) =	sbr.rel @p0 .LBB2_8-.Ltmp3, $4  }
0xe2: {  	v17 =	vld.idx.msk [tilespmem:v15+s3+$0x0], $0xffff  }
0xe3: {  	v15 =	vld.idx.msk [tilespmem:v18+s3+$0x0], $0xffff  }
0xe4: {  	v14 =	vadd.s32 $0x8, v14;
	v18 =	vld.idx.msk [tilespmem:v19+s3+$0x0], $0xffff  }
0xe5: {  	s11 =	sadd.s32 $0xFFFFFFFF, s11;
	v25 =	vor.u32 $0x7, v14;
	v24 =	vor.u32 $0x1, v14;
	v22 =	vor.u32 $0x2, v14;
	v19 =	vld.idx.msk [tilespmem:v26+s3+$0x0], $0xffff  }
0xe6: {  	_ =	sdelay $0x3  }
0xe7: {  	v23 =	vld.idx.msk [tilespmem:v23+s3+$0x0], $0xffff  }
0xe8: {  	v21 =	vld.idx.msk [tilespmem:v21+s3+$0x0], $0xffff  }
0xe9: {  	v26 =	vor.u32 $0x3, v14;
	v20 =	vld.idx.msk [tilespmem:v20+s3+$0x0], $0xffff  }
0xea: {  	v27 =	vor.u32 $0x4, v14;
	v29 =	vld.idx.msk [tilespmem:v14+s7+$0x0], $0xffff  }
0xeb: {  	v28 =	vor.u32 $0x5, v14;
	v24 =	vld.idx.msk [tilespmem:v24+s7+$0x0], $0xffff  }
0xec: {  	v14 =	vor.u32 $0x6, v14;
	v22 =	vld.idx.msk [tilespmem:v22+s7+$0x0], $0xffff  }
0xed: {  	v25 =	vld.idx.msk [tilespmem:v25+s7+$0x0], $0xffff  }
0xee: {  	v26 =	vld.idx.msk [tilespmem:v26+s7+$0x0], $0xffff  }
0xef: {  	v27 =	vld.idx.msk [tilespmem:v27+s7+$0x0], $0xffff  }
0xf0: {  	v28 =	vld.idx.msk [tilespmem:v28+s7+$0x0], $0xffff  }
0xf1: {  	v14 =	vld.idx.msk [tilespmem:v14+s7+$0x0], $0xffff  }
0xf2: {  	v29 =	vld.idx.msk [tilespmem:v29+s3+$0x0], $0xffff  }
0xf3: {  	v24 =	vld.idx.msk [tilespmem:v24+s3+$0x0], $0xffff  }
0xf4: {  	v22 =	vld.idx.msk [tilespmem:v22+s3+$0x0], $0xffff  }
0xf5: {  	v8 =	vadd.f32 v17, v8;
	v17 =	vld.idx.msk [tilespmem:v25+s3+$0x0], $0xffff  }
0xf6: {  	v6 =	vadd.f32 v16, v6;
	v26 =	vld.idx.msk [tilespmem:v26+s3+$0x0], $0xffff  }
0xf7: {  	v9 =	vadd.f32 v15, v9;
	v10 =	vadd.f32 v18, v10;
	v16 =	vld.idx.msk [tilespmem:v27+s3+$0x0], $0xffff  }
0xf8: {  	v7 =	vadd.f32 v19, v7;
	v13 =	vadd.f32 v23, v13;
	v15 =	vld.idx.msk [tilespmem:v28+s3+$0x0], $0xffff  }
0xf9: {  	v11 =	vadd.f32 v21, v11;
	v12 =	vadd.f32 v20, v12;
	v14 =	vld.idx.msk [tilespmem:v14+s3+$0x0], $0xffff  }
0xfa: {  	v6 =	vadd.f32 v29, v6;
	v9 =	vadd.f32 v24, v9  }
0xfb: {  	v10 =	vadd.f32 v22, v10;
	v7 =	vadd.f32 v26, v7  }
0xfc: {  	v6 =	vadd.f32 v9, v6;
	v13 =	vadd.f32 v16, v13  }
0xfd: {  	v11 =	vadd.f32 v15, v11;
	v7 =	vadd.f32 v7, v10  }
0xfe: {  	v8 =	vadd.f32 v17, v8;
	v9 =	vadd.f32 v14, v12  }
0xff: {  	v6 =	vadd.f32 v7, v6;
	v7 =	vadd.f32 v11, v13;
	_ =	sdelay $0x1  }
0x100: {  	v6 =	vadd.f32 v7, v6;
	v7 =	vadd.f32 v8, v9;
	_ =	sdelay $0x1  }
0x101: {  	v6 =	vadd.f32 v7, v6  }
0x102: {  	v7 =	vor.u32 $0x7, v4  }
0x103: {  	v8 =	vor.u32 $0x1, v4;
	v6 =	vmul.f32 $4.999999890e-03, v6  }
0x104: {  	v9 =	vor.u32 $0x2, v4  }
0x105: {  	[tilespmem:$0x1EB30] =	vst v6;
	v6 =	vor.u32 $0x3, v4  }
0x106: {  	v10 =	vor.u32 $0x4, v4;
	v11 =	vld.idx.msk [tilespmem:v4+s7+$0x0], $0xffff  }
0x107: {  	v12 =	vor.u32 $0x5, v4;
	v7 =	vld.idx.msk [tilespmem:v7+s7+$0x0], $0xffff  }
0x108: {  	v13 =	vor.u32 $0x6, v4;
	v8 =	vld.idx.msk [tilespmem:v8+s7+$0x0], $0xffff  }
0x109: {  	v9 =	vld.idx.msk [tilespmem:v9+s7+$0x0], $0xffff  }
0x10a: {  	v19 =	vld.idx.msk [tilespmem:v6+s7+$0x0], $0xffff  }
0x10b: {  	v23 =	vld.idx.msk [tilespmem:v10+s7+$0x0], $0xffff  }
0x10c: {  	v21 =	vld.idx.msk [tilespmem:v12+s7+$0x0], $0xffff  }
0x10d: {  	v20 =	vld.idx.msk [tilespmem:v13+s7+$0x0], $0xffff  }
0x10e: {  	v14 =	vadd.s32 $0x8, v4;
	v16 =	vld.idx.msk [tilespmem:v11+s3+$0x0], $0xffff  }
0x10f: {  	v24 =	vor.u32 $0x1, v14;
	v22 =	vor.u32 $0x2, v14;
	v17 =	vld.idx.msk [tilespmem:v7+s3+$0x0], $0xffff  }
0x110: {  	v25 =	vor.u32 $0x7, v14;
	v10 =	vimm.f32 $0.0e+00;
	v13 =	vimm.f32 $0.0e+00;
	v15 =	vld.idx.msk [tilespmem:v8+s3+$0x0], $0xffff  }
0x111: {  	v12 =	vimm.f32 $0.0e+00;
	v6 =	vimm.f32 $0.0e+00;
	v8 =	vimm.f32 $0.0e+00;
	v18 =	vld.idx.msk [tilespmem:v9+s3+$0x0], $0xffff  }
0x112: {  	s11 =	simm.s32 $0x17;
	v9 =	vimm.f32 $0.0e+00;
	v7 =	vimm.f32 $0.0e+00;
	v11 =	vimm.f32 $0.0e+00;
	v19 =	vld.idx.msk [tilespmem:v19+s3+$0x0], $0xffff  }
.LBB2_10:
0x113: {  	p0 =	sne.s32 s11, $0x1;
	v26 =	vor.u32 $0x3, v14;
	v27 =	vor.u32 $0x4, v14;
	v28 =	vor.u32 $0x5, v14;
	v23 =	vld.idx.msk [tilespmem:v23+s3+$0x0], $0xffff  }
0x114: {  	v29 =	vor.u32 $0x6, v14;
	v6 =	vadd.f32 v16, v6;
	v16 =	vld.idx.msk [tilespmem:v21+s3+$0x0], $0xffff  }
0x115: {  	v8 =	vadd.f32 v17, v8;
	v20 =	vld.idx.msk [tilespmem:v20+s3+$0x0], $0xffff  }
0x116: {  	v9 =	vadd.f32 v15, v9;
	v17 =	vld.idx.msk [tilespmem:v14+s7+$0x0], $0xffff  }
0x117: {  	v10 =	vadd.f32 v18, v10;
	v15 =	vld.idx.msk [tilespmem:v25+s7+$0x0], $0xffff  }
0x118: {  	v7 =	vadd.f32 v19, v7;
	v18 =	vld.idx.msk [tilespmem:v24+s7+$0x0], $0xffff  }
0x119: {  	v13 =	vadd.f32 v23, v13;
	v19 =	vld.idx.msk [tilespmem:v22+s7+$0x0], $0xffff  }
0x11a: {  	v11 =	vadd.f32 v16, v11;
	v26 =	vld.idx.msk [tilespmem:v26+s7+$0x0], $0xffff  }
0x11b: {  	v12 =	vadd.f32 v20, v12;
	v23 =	vld.idx.msk [tilespmem:v27+s7+$0x0], $0xffff  }
0x11c: {  	v21 =	vld.idx.msk [tilespmem:v28+s7+$0x0], $0xffff  }
0x11d: {  	v20 =	vld.idx.msk [tilespmem:v29+s7+$0x0], $0xffff  }
.Ltmp4:
0x11e: {  	v16 =	vld.idx.msk [tilespmem:v17+s3+$0x0], $0xffff;
	(pc) =	sbr.rel @p0 .LBB2_10-.Ltmp4, $4  }
0x11f: {  	v17 =	vld.idx.msk [tilespmem:v15+s3+$0x0], $0xffff  }
0x120: {  	v15 =	vld.idx.msk [tilespmem:v18+s3+$0x0], $0xffff  }
0x121: {  	v14 =	vadd.s32 $0x8, v14;
	v18 =	vld.idx.msk [tilespmem:v19+s3+$0x0], $0xffff  }
0x122: {  	s11 =	sadd.s32 $0xFFFFFFFF, s11;
	v25 =	vor.u32 $0x7, v14;
	v24 =	vor.u32 $0x1, v14;
	v22 =	vor.u32 $0x2, v14;
	v19 =	vld.idx.msk [tilespmem:v26+s3+$0x0], $0xffff  }
0x123: {  	_ =	sdelay $0x3  }
0x124: {  	v23 =	vld.idx.msk [tilespmem:v23+s3+$0x0], $0xffff  }
0x125: {  	v21 =	vld.idx.msk [tilespmem:v21+s3+$0x0], $0xffff  }
0x126: {  	v26 =	vor.u32 $0x3, v14;
	v20 =	vld.idx.msk [tilespmem:v20+s3+$0x0], $0xffff  }
0x127: {  	v27 =	vor.u32 $0x4, v14;
	v29 =	vld.idx.msk [tilespmem:v14+s7+$0x0], $0xffff  }
0x128: {  	v28 =	vor.u32 $0x5, v14;
	v24 =	vld.idx.msk [tilespmem:v24+s7+$0x0], $0xffff  }
0x129: {  	v14 =	vor.u32 $0x6, v14;
	v22 =	vld.idx.msk [tilespmem:v22+s7+$0x0], $0xffff  }
0x12a: {  	v25 =	vld.idx.msk [tilespmem:v25+s7+$0x0], $0xffff  }
0x12b: {  	v26 =	vld.idx.msk [tilespmem:v26+s7+$0x0], $0xffff  }
0x12c: {  	v27 =	vld.idx.msk [tilespmem:v27+s7+$0x0], $0xffff  }
0x12d: {  	v28 =	vld.idx.msk [tilespmem:v28+s7+$0x0], $0xffff  }
0x12e: {  	v14 =	vld.idx.msk [tilespmem:v14+s7+$0x0], $0xffff  }
0x12f: {  	v29 =	vld.idx.msk [tilespmem:v29+s3+$0x0], $0xffff  }
0x130: {  	v24 =	vld.idx.msk [tilespmem:v24+s3+$0x0], $0xffff  }
0x131: {  	v22 =	vld.idx.msk [tilespmem:v22+s3+$0x0], $0xffff  }
0x132: {  	v8 =	vadd.f32 v17, v8;
	v17 =	vld.idx.msk [tilespmem:v25+s3+$0x0], $0xffff  }
0x133: {  	v6 =	vadd.f32 v16, v6;
	v26 =	vld.idx.msk [tilespmem:v26+s3+$0x0], $0xffff  }
0x134: {  	v9 =	vadd.f32 v15, v9;
	v10 =	vadd.f32 v18, v10;
	v16 =	vld.idx.msk [tilespmem:v27+s3+$0x0], $0xffff  }
0x135: {  	v7 =	vadd.f32 v19, v7;
	v13 =	vadd.f32 v23, v13;
	v15 =	vld.idx.msk [tilespmem:v28+s3+$0x0], $0xffff  }
0x136: {  	v11 =	vadd.f32 v21, v11;
	v12 =	vadd.f32 v20, v12;
	v14 =	vld.idx.msk [tilespmem:v14+s3+$0x0], $0xffff  }
0x137: {  	v6 =	vadd.f32 v29, v6;
	v9 =	vadd.f32 v24, v9  }
0x138: {  	v10 =	vadd.f32 v22, v10;
	v7 =	vadd.f32 v26, v7  }
0x139: {  	v6 =	vadd.f32 v9, v6;
	v13 =	vadd.f32 v16, v13  }
0x13a: {  	v11 =	vadd.f32 v15, v11;
	v7 =	vadd.f32 v7, v10  }
0x13b: {  	v8 =	vadd.f32 v17, v8;
	v9 =	vadd.f32 v14, v12  }
0x13c: {  	v6 =	vadd.f32 v7, v6;
	v7 =	vadd.f32 v11, v13;
	_ =	sdelay $0x1  }
0x13d: {  	v6 =	vadd.f32 v7, v6;
	v7 =	vadd.f32 v8, v9;
	_ =	sdelay $0x1  }
0x13e: {  	v6 =	vadd.f32 v7, v6  }
0x13f: {  	v7 =	vor.u32 $0x7, v5  }
0x140: {  	v8 =	vor.u32 $0x1, v5;
	v6 =	vmul.f32 $4.999999890e-03, v6  }
0x141: {  	v9 =	vor.u32 $0x2, v5  }
0x142: {  	[tilespmem:$0x1EB40] =	vst v6;
	v6 =	vor.u32 $0x3, v5  }
0x143: {  	v10 =	vor.u32 $0x4, v5;
	v11 =	vld.idx.msk [tilespmem:v5+s7+$0x0], $0xffff  }
0x144: {  	v12 =	vor.u32 $0x5, v5;
	v7 =	vld.idx.msk [tilespmem:v7+s7+$0x0], $0xffff  }
0x145: {  	v13 =	vor.u32 $0x6, v5;
	v8 =	vld.idx.msk [tilespmem:v8+s7+$0x0], $0xffff  }
0x146: {  	v9 =	vld.idx.msk [tilespmem:v9+s7+$0x0], $0xffff  }
0x147: {  	v19 =	vld.idx.msk [tilespmem:v6+s7+$0x0], $0xffff  }
0x148: {  	v23 =	vld.idx.msk [tilespmem:v10+s7+$0x0], $0xffff  }
0x149: {  	v21 =	vld.idx.msk [tilespmem:v12+s7+$0x0], $0xffff  }
0x14a: {  	v20 =	vld.idx.msk [tilespmem:v13+s7+$0x0], $0xffff  }
0x14b: {  	v14 =	vadd.s32 $0x8, v5;
	v16 =	vld.idx.msk [tilespmem:v11+s3+$0x0], $0xffff  }
0x14c: {  	v24 =	vor.u32 $0x1, v14;
	v22 =	vor.u32 $0x2, v14;
	v17 =	vld.idx.msk [tilespmem:v7+s3+$0x0], $0xffff  }
0x14d: {  	v25 =	vor.u32 $0x7, v14;
	v10 =	vimm.f32 $0.0e+00;
	v13 =	vimm.f32 $0.0e+00;
	v15 =	vld.idx.msk [tilespmem:v8+s3+$0x0], $0xffff  }
0x14e: {  	v12 =	vimm.f32 $0.0e+00;
	v6 =	vimm.f32 $0.0e+00;
	v8 =	vimm.f32 $0.0e+00;
	v18 =	vld.idx.msk [tilespmem:v9+s3+$0x0], $0xffff  }
0x14f: {  	s11 =	simm.s32 $0x17;
	v9 =	vimm.f32 $0.0e+00;
	v7 =	vimm.f32 $0.0e+00;
	v11 =	vimm.f32 $0.0e+00;
	v19 =	vld.idx.msk [tilespmem:v19+s3+$0x0], $0xffff  }
.LBB2_12:
0x150: {  	p0 =	sne.s32 s11, $0x1;
	v26 =	vor.u32 $0x3, v14;
	v27 =	vor.u32 $0x4, v14;
	v28 =	vor.u32 $0x5, v14;
	v23 =	vld.idx.msk [tilespmem:v23+s3+$0x0], $0xffff  }
0x151: {  	v29 =	vor.u32 $0x6, v14;
	v6 =	vadd.f32 v16, v6;
	v16 =	vld.idx.msk [tilespmem:v21+s3+$0x0], $0xffff  }
0x152: {  	v8 =	vadd.f32 v17, v8;
	v20 =	vld.idx.msk [tilespmem:v20+s3+$0x0], $0xffff  }
0x153: {  	v9 =	vadd.f32 v15, v9;
	v17 =	vld.idx.msk [tilespmem:v14+s7+$0x0], $0xffff  }
0x154: {  	v10 =	vadd.f32 v18, v10;
	v15 =	vld.idx.msk [tilespmem:v25+s7+$0x0], $0xffff  }
0x155: {  	v7 =	vadd.f32 v19, v7;
	v18 =	vld.idx.msk [tilespmem:v24+s7+$0x0], $0xffff  }
0x156: {  	v13 =	vadd.f32 v23, v13;
	v19 =	vld.idx.msk [tilespmem:v22+s7+$0x0], $0xffff  }
0x157: {  	v11 =	vadd.f32 v16, v11;
	v26 =	vld.idx.msk [tilespmem:v26+s7+$0x0], $0xffff  }
0x158: {  	v12 =	vadd.f32 v20, v12;
	v23 =	vld.idx.msk [tilespmem:v27+s7+$0x0], $0xffff  }
0x159: {  	v21 =	vld.idx.msk [tilespmem:v28+s7+$0x0], $0xffff  }
0x15a: {  	v20 =	vld.idx.msk [tilespmem:v29+s7+$0x0], $0xffff  }
.Ltmp5:
0x15b: {  	v16 =	vld.idx.msk [tilespmem:v17+s3+$0x0], $0xffff;
	(pc) =	sbr.rel @p0 .LBB2_12-.Ltmp5, $4  }
0x15c: {  	v17 =	vld.idx.msk [tilespmem:v15+s3+$0x0], $0xffff  }
0x15d: {  	v15 =	vld.idx.msk [tilespmem:v18+s3+$0x0], $0xffff  }
0x15e: {  	v14 =	vadd.s32 $0x8, v14;
	v18 =	vld.idx.msk [tilespmem:v19+s3+$0x0], $0xffff  }
0x15f: {  	s11 =	sadd.s32 $0xFFFFFFFF, s11;
	v25 =	vor.u32 $0x7, v14;
	v24 =	vor.u32 $0x1, v14;
	v22 =	vor.u32 $0x2, v14;
	v19 =	vld.idx.msk [tilespmem:v26+s3+$0x0], $0xffff  }
0x160: {  	_ =	sdelay $0x3  }
0x161: {  	v23 =	vld.idx.msk [tilespmem:v23+s3+$0x0], $0xffff  }
0x162: {  	v21 =	vld.idx.msk [tilespmem:v21+s3+$0x0], $0xffff  }
0x163: {  	v26 =	vor.u32 $0x3, v14;
	v20 =	vld.idx.msk [tilespmem:v20+s3+$0x0], $0xffff  }
0x164: {  	v27 =	vor.u32 $0x4, v14;
	v29 =	vld.idx.msk [tilespmem:v14+s7+$0x0], $0xffff  }
0x165: {  	v28 =	vor.u32 $0x5, v14;
	v24 =	vld.idx.msk [tilespmem:v24+s7+$0x0], $0xffff  }
0x166: {  	v14 =	vor.u32 $0x6, v14;
	v22 =	vld.idx.msk [tilespmem:v22+s7+$0x0], $0xffff  }
0x167: {  	v25 =	vld.idx.msk [tilespmem:v25+s7+$0x0], $0xffff  }
0x168: {  	v26 =	vld.idx.msk [tilespmem:v26+s7+$0x0], $0xffff  }
0x169: {  	v27 =	vld.idx.msk [tilespmem:v27+s7+$0x0], $0xffff  }
0x16a: {  	v28 =	vld.idx.msk [tilespmem:v28+s7+$0x0], $0xffff  }
0x16b: {  	v14 =	vld.idx.msk [tilespmem:v14+s7+$0x0], $0xffff  }
0x16c: {  	v29 =	vld.idx.msk [tilespmem:v29+s3+$0x0], $0xffff  }
0x16d: {  	v24 =	vld.idx.msk [tilespmem:v24+s3+$0x0], $0xffff  }
0x16e: {  	v22 =	vld.idx.msk [tilespmem:v22+s3+$0x0], $0xffff  }
0x16f: {  	v8 =	vadd.f32 v17, v8;
	v17 =	vld.idx.msk [tilespmem:v25+s3+$0x0], $0xffff  }
0x170: {  	v6 =	vadd.f32 v16, v6;
	v26 =	vld.idx.msk [tilespmem:v26+s3+$0x0], $0xffff  }
0x171: {  	v9 =	vadd.f32 v15, v9;
	v10 =	vadd.f32 v18, v10;
	v16 =	vld.idx.msk [tilespmem:v27+s3+$0x0], $0xffff  }
0x172: {  	v7 =	vadd.f32 v19, v7;
	v13 =	vadd.f32 v23, v13;
	v15 =	vld.idx.msk [tilespmem:v28+s3+$0x0], $0xffff  }
0x173: {  	v11 =	vadd.f32 v21, v11;
	v12 =	vadd.f32 v20, v12;
	v14 =	vld.idx.msk [tilespmem:v14+s3+$0x0], $0xffff  }
0x174: {  	v6 =	vadd.f32 v29, v6;
	v9 =	vadd.f32 v24, v9  }
0x175: {  	v10 =	vadd.f32 v22, v10;
	v7 =	vadd.f32 v26, v7  }
0x176: {  	v6 =	vadd.f32 v9, v6;
	v13 =	vadd.f32 v16, v13  }
0x177: {  	v11 =	vadd.f32 v15, v11;
	v7 =	vadd.f32 v7, v10  }
0x178: {  	v8 =	vadd.f32 v17, v8;
	v9 =	vadd.f32 v14, v12  }
0x179: {  	v6 =	vadd.f32 v7, v6;
	v7 =	vadd.f32 v11, v13;
	_ =	sdelay $0x1  }
0x17a: {  	v6 =	vadd.f32 v7, v6;
	v7 =	vadd.f32 v8, v9;
	_ =	sdelay $0x1  }
0x17b: {  	v6 =	vadd.f32 v7, v6;
	v7 =	vadd.s32 $0x4B00, v0  }
0x17c: {  	v8 =	vor.u32 $0x7, v7  }
0x17d: {  	v9 =	vor.u32 $0x1, v7;
	v6 =	vmul.f32 $4.999999890e-03, v6  }
0x17e: {  	v10 =	vor.u32 $0x2, v7  }
0x17f: {  	[tilespmem:$0x1EB50] =	vst v6;
	v6 =	vor.u32 $0x3, v7  }
0x180: {  	v11 =	vor.u32 $0x4, v7;
	v12 =	vld.idx.msk [tilespmem:v7+s7+$0x0], $0xffff  }
0x181: {  	v13 =	vor.u32 $0x5, v7;
	v8 =	vld.idx.msk [tilespmem:v8+s7+$0x0], $0xffff  }
0x182: {  	v14 =	vor.u32 $0x6, v7;
	v9 =	vld.idx.msk [tilespmem:v9+s7+$0x0], $0xffff  }
0x183: {  	v10 =	vld.idx.msk [tilespmem:v10+s7+$0x0], $0xffff  }
0x184: {  	v19 =	vld.idx.msk [tilespmem:v6+s7+$0x0], $0xffff  }
0x185: {  	v23 =	vld.idx.msk [tilespmem:v11+s7+$0x0], $0xffff  }
0x186: {  	v21 =	vld.idx.msk [tilespmem:v13+s7+$0x0], $0xffff  }
0x187: {  	v20 =	vld.idx.msk [tilespmem:v14+s7+$0x0], $0xffff  }
0x188: {  	v16 =	vld.idx.msk [tilespmem:v12+s3+$0x0], $0xffff  }
0x189: {  	v14 =	vadd.s32 $0x8, v7;
	v7 =	vimm.f32 $0.0e+00;
	v13 =	vimm.f32 $0.0e+00;
	v17 =	vld.idx.msk [tilespmem:v8+s3+$0x0], $0xffff  }
0x18a: {  	v11 =	vimm.f32 $0.0e+00;
	v24 =	vor.u32 $0x1, v14;
	v22 =	vor.u32 $0x2, v14;
	v15 =	vld.idx.msk [tilespmem:v9+s3+$0x0], $0xffff  }
0x18b: {  	v25 =	vor.u32 $0x7, v14;
	v6 =	vimm.f32 $0.0e+00;
	v12 =	vimm.f32 $0.0e+00;
	v18 =	vld.idx.msk [tilespmem:v10+s3+$0x0], $0xffff  }
0x18c: {  	s11 =	simm.s32 $0x17;
	v8 =	vimm.f32 $0.0e+00;
	v9 =	vimm.f32 $0.0e+00;
	v10 =	vimm.f32 $0.0e+00;
	v19 =	vld.idx.msk [tilespmem:v19+s3+$0x0], $0xffff  }
.LBB2_14:
0x18d: {  	p0 =	sne.s32 s11, $0x1;
	v26 =	vor.u32 $0x3, v14;
	v27 =	vor.u32 $0x4, v14;
	v28 =	vor.u32 $0x5, v14;
	v23 =	vld.idx.msk [tilespmem:v23+s3+$0x0], $0xffff  }
0x18e: {  	v29 =	vor.u32 $0x6, v14;
	v6 =	vadd.f32 v16, v6;
	v16 =	vld.idx.msk [tilespmem:v21+s3+$0x0], $0xffff  }
0x18f: {  	v8 =	vadd.f32 v17, v8;
	v20 =	vld.idx.msk [tilespmem:v20+s3+$0x0], $0xffff  }
0x190: {  	v9 =	vadd.f32 v15, v9;
	v17 =	vld.idx.msk [tilespmem:v14+s7+$0x0], $0xffff  }
0x191: {  	v10 =	vadd.f32 v18, v10;
	v15 =	vld.idx.msk [tilespmem:v25+s7+$0x0], $0xffff  }
0x192: {  	v7 =	vadd.f32 v19, v7;
	v18 =	vld.idx.msk [tilespmem:v24+s7+$0x0], $0xffff  }
0x193: {  	v13 =	vadd.f32 v23, v13;
	v19 =	vld.idx.msk [tilespmem:v22+s7+$0x0], $0xffff  }
0x194: {  	v11 =	vadd.f32 v16, v11;
	v26 =	vld.idx.msk [tilespmem:v26+s7+$0x0], $0xffff  }
0x195: {  	v12 =	vadd.f32 v20, v12;
	v23 =	vld.idx.msk [tilespmem:v27+s7+$0x0], $0xffff  }
0x196: {  	v21 =	vld.idx.msk [tilespmem:v28+s7+$0x0], $0xffff  }
0x197: {  	v20 =	vld.idx.msk [tilespmem:v29+s7+$0x0], $0xffff  }
.Ltmp6:
0x198: {  	v16 =	vld.idx.msk [tilespmem:v17+s3+$0x0], $0xffff;
	(pc) =	sbr.rel @p0 .LBB2_14-.Ltmp6, $4  }
0x199: {  	v17 =	vld.idx.msk [tilespmem:v15+s3+$0x0], $0xffff  }
0x19a: {  	v15 =	vld.idx.msk [tilespmem:v18+s3+$0x0], $0xffff  }
0x19b: {  	v14 =	vadd.s32 $0x8, v14;
	v18 =	vld.idx.msk [tilespmem:v19+s3+$0x0], $0xffff  }
0x19c: {  	s11 =	sadd.s32 $0xFFFFFFFF, s11;
	v25 =	vor.u32 $0x7, v14;
	v24 =	vor.u32 $0x1, v14;
	v22 =	vor.u32 $0x2, v14;
	v19 =	vld.idx.msk [tilespmem:v26+s3+$0x0], $0xffff  }
0x19d: {  	_ =	sdelay $0x3  }
0x19e: {  	v23 =	vld.idx.msk [tilespmem:v23+s3+$0x0], $0xffff  }
0x19f: {  	v21 =	vld.idx.msk [tilespmem:v21+s3+$0x0], $0xffff  }
0x1a0: {  	v26 =	vor.u32 $0x3, v14;
	v20 =	vld.idx.msk [tilespmem:v20+s3+$0x0], $0xffff  }
0x1a1: {  	v27 =	vor.u32 $0x4, v14;
	v29 =	vld.idx.msk [tilespmem:v14+s7+$0x0], $0xffff  }
0x1a2: {  	v28 =	vor.u32 $0x5, v14;
	v24 =	vld.idx.msk [tilespmem:v24+s7+$0x0], $0xffff  }
0x1a3: {  	v14 =	vor.u32 $0x6, v14;
	v22 =	vld.idx.msk [tilespmem:v22+s7+$0x0], $0xffff  }
0x1a4: {  	v25 =	vld.idx.msk [tilespmem:v25+s7+$0x0], $0xffff  }
0x1a5: {  	v26 =	vld.idx.msk [tilespmem:v26+s7+$0x0], $0xffff  }
0x1a6: {  	v27 =	vld.idx.msk [tilespmem:v27+s7+$0x0], $0xffff  }
0x1a7: {  	v28 =	vld.idx.msk [tilespmem:v28+s7+$0x0], $0xffff  }
0x1a8: {  	v14 =	vld.idx.msk [tilespmem:v14+s7+$0x0], $0xffff  }
0x1a9: {  	v29 =	vld.idx.msk [tilespmem:v29+s3+$0x0], $0xffff  }
0x1aa: {  	v24 =	vld.idx.msk [tilespmem:v24+s3+$0x0], $0xffff  }
0x1ab: {  	v22 =	vld.idx.msk [tilespmem:v22+s3+$0x0], $0xffff  }
0x1ac: {  	v8 =	vadd.f32 v17, v8;
	v17 =	vld.idx.msk [tilespmem:v25+s3+$0x0], $0xffff  }
0x1ad: {  	v6 =	vadd.f32 v16, v6;
	v26 =	vld.idx.msk [tilespmem:v26+s3+$0x0], $0xffff  }
0x1ae: {  	v9 =	vadd.f32 v15, v9;
	v10 =	vadd.f32 v18, v10;
	v16 =	vld.idx.msk [tilespmem:v27+s3+$0x0], $0xffff  }
0x1af: {  	v7 =	vadd.f32 v19, v7;
	v13 =	vadd.f32 v23, v13;
	v15 =	vld.idx.msk [tilespmem:v28+s3+$0x0], $0xffff  }
0x1b0: {  	v11 =	vadd.f32 v21, v11;
	v12 =	vadd.f32 v20, v12;
	v14 =	vld.idx.msk [tilespmem:v14+s3+$0x0], $0xffff  }
0x1b1: {  	v6 =	vadd.f32 v29, v6;
	v9 =	vadd.f32 v24, v9  }
0x1b2: {  	v10 =	vadd.f32 v22, v10;
	v7 =	vadd.f32 v26, v7  }
0x1b3: {  	v6 =	vadd.f32 v9, v6;
	v13 =	vadd.f32 v16, v13  }
0x1b4: {  	v11 =	vadd.f32 v15, v11;
	v7 =	vadd.f32 v7, v10  }
0x1b5: {  	v8 =	vadd.f32 v17, v8;
	v9 =	vadd.f32 v14, v12  }
0x1b6: {  	v6 =	vadd.f32 v7, v6;
	v7 =	vadd.f32 v11, v13;
	_ =	sdelay $0x1  }
0x1b7: {  	v6 =	vadd.f32 v7, v6;
	v7 =	vadd.f32 v8, v9;
	_ =	sdelay $0x1  }
0x1b8: {  	v6 =	vadd.f32 v7, v6;
	v7 =	vadd.s32 $0x5780, v0  }
0x1b9: {  	v8 =	vor.u32 $0x7, v7  }
0x1ba: {  	v9 =	vor.u32 $0x1, v7;
	v6 =	vmul.f32 $4.999999890e-03, v6  }
0x1bb: {  	v10 =	vor.u32 $0x2, v7  }
0x1bc: {  	[tilespmem:$0x1EB60] =	vst v6;
	v6 =	vor.u32 $0x3, v7  }
0x1bd: {  	v11 =	vor.u32 $0x4, v7;
	v12 =	vld.idx.msk [tilespmem:v7+s7+$0x0], $0xffff  }
0x1be: {  	v13 =	vor.u32 $0x5, v7;
	v8 =	vld.idx.msk [tilespmem:v8+s7+$0x0], $0xffff  }
0x1bf: {  	v14 =	vor.u32 $0x6, v7;
	v9 =	vld.idx.msk [tilespmem:v9+s7+$0x0], $0xffff  }
0x1c0: {  	v10 =	vld.idx.msk [tilespmem:v10+s7+$0x0], $0xffff  }
0x1c1: {  	v19 =	vld.idx.msk [tilespmem:v6+s7+$0x0], $0xffff  }
0x1c2: {  	v23 =	vld.idx.msk [tilespmem:v11+s7+$0x0], $0xffff  }
0x1c3: {  	v21 =	vld.idx.msk [tilespmem:v13+s7+$0x0], $0xffff  }
0x1c4: {  	v20 =	vld.idx.msk [tilespmem:v14+s7+$0x0], $0xffff  }
0x1c5: {  	v16 =	vld.idx.msk [tilespmem:v12+s3+$0x0], $0xffff  }
0x1c6: {  	v14 =	vadd.s32 $0x8, v7;
	v7 =	vimm.f32 $0.0e+00;
	v13 =	vimm.f32 $0.0e+00;
	v17 =	vld.idx.msk [tilespmem:v8+s3+$0x0], $0xffff  }
0x1c7: {  	v11 =	vimm.f32 $0.0e+00;
	v24 =	vor.u32 $0x1, v14;
	v22 =	vor.u32 $0x2, v14;
	v15 =	vld.idx.msk [tilespmem:v9+s3+$0x0], $0xffff  }
0x1c8: {  	v25 =	vor.u32 $0x7, v14;
	v6 =	vimm.f32 $0.0e+00;
	v12 =	vimm.f32 $0.0e+00;
	v18 =	vld.idx.msk [tilespmem:v10+s3+$0x0], $0xffff  }
0x1c9: {  	s11 =	simm.s32 $0x17;
	v8 =	vimm.f32 $0.0e+00;
	v9 =	vimm.f32 $0.0e+00;
	v10 =	vimm.f32 $0.0e+00;
	v19 =	vld.idx.msk [tilespmem:v19+s3+$0x0], $0xffff  }
.LBB2_16:
0x1ca: {  	p0 =	sne.s32 s11, $0x1;
	v26 =	vor.u32 $0x3, v14;
	v27 =	vor.u32 $0x4, v14;
	v28 =	vor.u32 $0x5, v14;
	v23 =	vld.idx.msk [tilespmem:v23+s3+$0x0], $0xffff  }
0x1cb: {  	v29 =	vor.u32 $0x6, v14;
	v6 =	vadd.f32 v16, v6;
	v16 =	vld.idx.msk [tilespmem:v21+s3+$0x0], $0xffff  }
0x1cc: {  	v8 =	vadd.f32 v17, v8;
	v20 =	vld.idx.msk [tilespmem:v20+s3+$0x0], $0xffff  }
0x1cd: {  	v9 =	vadd.f32 v15, v9;
	v17 =	vld.idx.msk [tilespmem:v14+s7+$0x0], $0xffff  }
0x1ce: {  	v10 =	vadd.f32 v18, v10;
	v15 =	vld.idx.msk [tilespmem:v25+s7+$0x0], $0xffff  }
0x1cf: {  	v7 =	vadd.f32 v19, v7;
	v18 =	vld.idx.msk [tilespmem:v24+s7+$0x0], $0xffff  }
0x1d0: {  	v13 =	vadd.f32 v23, v13;
	v19 =	vld.idx.msk [tilespmem:v22+s7+$0x0], $0xffff  }
0x1d1: {  	v11 =	vadd.f32 v16, v11;
	v26 =	vld.idx.msk [tilespmem:v26+s7+$0x0], $0xffff  }
0x1d2: {  	v12 =	vadd.f32 v20, v12;
	v23 =	vld.idx.msk [tilespmem:v27+s7+$0x0], $0xffff  }
0x1d3: {  	v21 =	vld.idx.msk [tilespmem:v28+s7+$0x0], $0xffff  }
0x1d4: {  	v20 =	vld.idx.msk [tilespmem:v29+s7+$0x0], $0xffff  }
.Ltmp7:
0x1d5: {  	v16 =	vld.idx.msk [tilespmem:v17+s3+$0x0], $0xffff;
	(pc) =	sbr.rel @p0 .LBB2_16-.Ltmp7, $4  }
0x1d6: {  	v17 =	vld.idx.msk [tilespmem:v15+s3+$0x0], $0xffff  }
0x1d7: {  	v15 =	vld.idx.msk [tilespmem:v18+s3+$0x0], $0xffff  }
0x1d8: {  	v14 =	vadd.s32 $0x8, v14;
	v18 =	vld.idx.msk [tilespmem:v19+s3+$0x0], $0xffff  }
0x1d9: {  	s11 =	sadd.s32 $0xFFFFFFFF, s11;
	v25 =	vor.u32 $0x7, v14;
	v24 =	vor.u32 $0x1, v14;
	v22 =	vor.u32 $0x2, v14;
	v19 =	vld.idx.msk [tilespmem:v26+s3+$0x0], $0xffff  }
0x1da: {  	_ =	sdelay $0x3  }
0x1db: {  	v23 =	vld.idx.msk [tilespmem:v23+s3+$0x0], $0xffff  }
0x1dc: {  	v21 =	vld.idx.msk [tilespmem:v21+s3+$0x0], $0xffff  }
0x1dd: {  	v26 =	vor.u32 $0x3, v14;
	v20 =	vld.idx.msk [tilespmem:v20+s3+$0x0], $0xffff  }
0x1de: {  	v27 =	vor.u32 $0x4, v14;
	v29 =	vld.idx.msk [tilespmem:v14+s7+$0x0], $0xffff  }
0x1df: {  	v28 =	vor.u32 $0x5, v14;
	v24 =	vld.idx.msk [tilespmem:v24+s7+$0x0], $0xffff  }
0x1e0: {  	v59 =	vor.u32 $0x6, v14;
	v22 =	vld.idx.msk [tilespmem:v22+s7+$0x0], $0xffff  }
0x1e1: {  	v25 =	vld.idx.msk [tilespmem:v25+s7+$0x0], $0xffff  }
0x1e2: {  	v26 =	vld.idx.msk [tilespmem:v26+s7+$0x0], $0xffff  }
0x1e3: {  	v27 =	vld.idx.msk [tilespmem:v27+s7+$0x0], $0xffff  }
0x1e4: {  	v28 =	vld.idx.msk [tilespmem:v28+s7+$0x0], $0xffff  }
0x1e5: {  	v14 =	vld.idx.msk [tilespmem:v59+s7+$0x0], $0xffff  }
0x1e6: {  	v29 =	vld.idx.msk [tilespmem:v29+s3+$0x0], $0xffff  }
0x1e7: {  	v24 =	vld.idx.msk [tilespmem:v24+s3+$0x0], $0xffff  }
0x1e8: {  	v22 =	vld.idx.msk [tilespmem:v22+s3+$0x0], $0xffff  }
0x1e9: {  	v62 =	vld.idx.msk [tilespmem:v25+s3+$0x0], $0xffff  }
0x1ea: {  	v6 =	vadd.f32 v16, v6;
	v8 =	vadd.f32 v17, v8;
	v26 =	vld.idx.msk [tilespmem:v26+s3+$0x0], $0xffff  }
0x1eb: {  	v9 =	vadd.f32 v15, v9;
	v10 =	vadd.f32 v18, v10;
	v60 =	vld.idx.msk [tilespmem:v27+s3+$0x0], $0xffff  }
0x1ec: {  	v7 =	vadd.f32 v19, v7;
	v13 =	vadd.f32 v23, v13;
	v61 =	vld.idx.msk [tilespmem:v28+s3+$0x0], $0xffff  }
0x1ed: {  	v11 =	vadd.f32 v21, v11;
	v12 =	vadd.f32 v20, v12;
	v14 =	vld.idx.msk [tilespmem:v14+s3+$0x0], $0xffff  }
0x1ee: {  	v6 =	vadd.f32 v29, v6;
	v9 =	vadd.f32 v24, v9  }
0x1ef: {  	v10 =	vadd.f32 v22, v10;
	v7 =	vadd.f32 v26, v7  }
0x1f0: {  	v6 =	vadd.f32 v9, v6;
	v13 =	vadd.f32 v60, v13  }
0x1f1: {  	v11 =	vadd.f32 v61, v11;
	v7 =	vadd.f32 v7, v10  }
0x1f2: {  	v8 =	vadd.f32 v62, v8;
	v63 =	vadd.f32 v14, v12  }
0x1f3: {  	v6 =	vadd.f32 v7, v6;
	v7 =	vadd.f32 v11, v13;
	_ =	sdelay $0x1  }
0x1f4: {  	v6 =	vadd.f32 v7, v6;
	v7 =	vadd.f32 v8, v63;
	_ =	sdelay $0x1  }
0x1f5: {  	v6 =	vadd.f32 v7, v6;
	_ =	sdelay $0x1  }
0x1f6: {  	s10 =	sadd.s32 $0x1, s10;
	v6 =	vmul.f32 $4.999999890e-03, v6  }
0x1f7: {  	p0 =	sne.s32 s10, s6  }
.Ltmp8:
0x1f8: {  	[tilespmem:$0x1EB70] =	vst v6;
	(pc) =	sbr.rel @p0 .LBB2_1-.Ltmp8, $4  }
0x1f9: {  	[hbm4b:s5+s3] =	stream.linear.scatter [tilespmem:s9], [sflag:$0x1], $0x80, $0x38;
	[tilespmem:$0x1EB80] =	vst v63  }
0x1fa: {  	_ =	swait.ge [sflag:s8], $0x80  }
0x1fb: {  	[sflag:s8] =	ssyncset.done $0x0  }
0x1fc: {  	[sflag:s8] =	ssyncadd.s32 $0xFFFFFF80  }
0x1fd: {  	_ =	sfence.sel $0x180000  }
0x1fe: {  	[bflag:$0x0] =	sbarrier.arrive $0xFFFF  }
0x1ff: {  	p0 =	sne.s32 s0, $0x0;
	_ =	strace $0x90000047  }
0x200: {  	s0 =	sadd.s32 @!p0 $0x100000, s2;
	[bflag:$0x2] =	sbarrier.arrive $0xFFFF  }
0x201: {  	[sflag:s0] =	ssyncadd.tile.s32 @!p0 $0x1;
	_ =	shalt  }
.Lfunc_end2:
_tile_overlayer_lowered:
.L_overlay_start_2:
0x202: {  	(tag) =	ssettag $0x2  }
0x203: {  	s0 =	rddreg [dreg:$0x0];
	s2 =	stileid.u32  }
0x204: {  	s1 =	rddreg [dreg:$0x1];
	p0 =	sne.s32 s2, $0x0  }
0x205: {  	s3 =	rddreg [dreg:$0x2];
	[bflag:$0x3] =	sbarrier.arrive $0xFFFF;
	s2 =	simm.s32 @!p0 $0x1C01  }
0x206: {  	[timem:s3], [sflag:s2] =	dma.local @!p0 [hbm:s0], s1  }
0x207: {  	s0 =	simm.s32 @!p0 $0x1  }
0x208: {  	_ =	swait.ge @!p0 [sflag:s0], s1  }
0x209: {  	s1 =	ssub.s32 @!p0 $0x0, s1;
	[sflag:s0] =	ssyncset.done @!p0 $0x0  }
0x20a: {  	[sflag:s0] =	ssyncadd.s32 @!p0 s1  }
0x20b: {  	[bflag:$0x3] =	sbarrier.arrive $0xFFFF  }
0x20c: {  	_ =	shalt  }

</sc_bundles>
